<compile_context>
chip_gen: v7x
topology: tpu7x:2x2x1
jax: 0.10.2.dev20260603
libtpu: 0.0.44.dev20260713+nightly
codegen_flags: <defaults>
</compile_context>

<pallas_src>
import functools

import jax
import jax.numpy as jnp
from jax import lax
from jax.experimental import pallas as pl
from jax.experimental.pallas import tpu as pltpu
from jax.experimental.pallas import tpu_sc as plsc

_BATCH = 16384
_NCLASS = 100000
_FEAT = 64
_NC = 2
_NS = 16
_NW = _NC * _NS
_FPW = _FEAT // _NW
_LANES = 16

_CW = 12544
_NK = 8
_K7OFF = _NCLASS - 32 - _CW
_SEG = 2048
_NSEG = _BATCH // _SEG
_MRING = 2


@functools.partial(
    pl.kernel,
    mesh=plsc.VectorSubcoreMesh(core_axis_name="c", subcore_axis_name="s"),
    out_type=jax.ShapeDtypeStruct((_NW, _LANES), jnp.float32),
    scratch_types=[
        pltpu.VMEM((_NK, _CW), jnp.float32),
        pltpu.VMEM((_NSEG, _SEG), jnp.float32),
        pltpu.VMEM((_MRING * _SEG,), jnp.int32),
        pltpu.VMEM((_FEAT, 32), jnp.float32),
        pltpu.VMEM((_LANES,), jnp.float32),
        pltpu.SemaphoreType.DMA,
        pltpu.SemaphoreType.DMA,
        pltpu.SemaphoreType.DMA((_MRING,)),
        pltpu.SemaphoreType.DMA,
    ],
    compiler_params=pltpu.CompilerParams(needs_layout_passes=False),
)
def _center_loss_sc(feat_hbm, m_hbm, cent_hbm, out_hbm,
                    crow_v, fv, m_v, tail_v, acc_v, csem, fsem, msems,
                    tsem):
    wid = lax.axis_index("s") * _NC + lax.axis_index("c")
    z = lax.shift_right_logical(wid, 5)

    tail_copy = pltpu.async_copy(
        cent_hbm.at[pl.ds(0, _FEAT), pl.ds(_NCLASS - 32, 32)], tail_v, tsem)

    def pass_fn(p, acc):
        f = wid * _FPW + p

        def stage_crow(k, _, f=f):
            off = jnp.where(k < _NK - 1, k * _CW, _K7OFF)
            pltpu.async_copy(
                cent_hbm.at[pl.ds(f, 1), pl.ds(off, _CW)],
                crow_v.at[pl.ds(k + z, 1), :], csem)
            return 0

        lax.fori_loop(0, _NK, stage_crow, 0)

        def stage_fv(s, _, f=f):
            pltpu.async_copy(
                feat_hbm.at[pl.ds(f, 1), pl.ds(s * _SEG, _SEG)],
                fv.at[pl.ds(s + z, 1), :], fsem)
            return 0

        lax.fori_loop(0, _NSEG, stage_fv, 0)

        def prefetch_m(s, _):
            pltpu.async_copy(m_hbm.at[pl.ds(s * _SEG, _SEG)],
                             m_v.at[pl.ds(s * _SEG, _SEG)], msems.at[s])
            return 0

        lax.fori_loop(0, _MRING, prefetch_m, 0)

        pltpu.make_async_copy(
            cent_hbm.at[pl.ds(0, _NK), pl.ds(0, _CW)], crow_v, csem).wait()
        pltpu.make_async_copy(
            feat_hbm.at[pl.ds(0, _NSEG), pl.ds(0, _SEG)], fv, fsem).wait()

        @pl.when(p == 0)
        def _():
            tail_copy.wait()

        k7 = _NK - 1 + z
        crow_v[k7, pl.ds(0, _LANES)] = tail_v[f, pl.ds(0, _LANES)]
        crow_v[k7, pl.ds(_LANES, _LANES)] = tail_v[f, pl.ds(_LANES, _LANES)]

        def seg_fn(s, a):
            slot = s % _MRING
            pltpu.make_async_copy(
                m_hbm.at[pl.ds(0, _SEG)],
                m_v.at[pl.ds(slot * _SEG, _SEG)], msems.at[slot]).wait()

            def seg_body(vl, aa, s=s, slot=slot):
                m16 = m_v[pl.ds(slot * _SEG + vl * _LANES, _LANES)]
                k = lax.shift_right_logical(m16, 14)
                j = m16 & 16383
                c = plsc.load_gather(crow_v, [k, j])
                fvv = fv[s + z, pl.ds(vl * _LANES, _LANES)]
                d = fvv - c
                return aa + d * d

            a = lax.fori_loop(0, _SEG // _LANES, seg_body, a, unroll=4)

            @pl.when(s + _MRING < _NSEG)
            def _():
                nxt = s + _MRING
                pltpu.async_copy(m_hbm.at[pl.ds(nxt * _SEG, _SEG)],
                                 m_v.at[pl.ds(slot * _SEG, _SEG)],
                                 msems.at[slot])

            return a

        return lax.fori_loop(0, _NSEG, seg_fn, acc)

    acc = lax.fori_loop(0, _FPW, pass_fn,
                        jnp.zeros((_LANES,), jnp.float32))
    acc_v[...] = acc * (0.5 / _BATCH)
    pltpu.sync_copy(acc_v, out_hbm.at[wid])


def kernel(features, labels, centers):
    labels = labels.astype(jnp.int32)
    k = jnp.minimum(labels // _CW, _NK - 1)
    j = jnp.where(labels < (_NK - 1) * _CW, labels - k * _CW,
                  jnp.where(labels < _NCLASS - 32, labels - _K7OFF,
                            labels - (_NCLASS - 32)))
    m = (k << 14) | j
    partials = _center_loss_sc(features.T, m, centers.T)
    return jnp.sum(partials)

# --- scband reference (transcript-rebuilt; emitter-appended) ---
"""Pipeline reference for scband-center-loss-91122026151977 (READ-ONLY COPY).

The authoritative reference and input builder live on the scoring server;
editing this copy changes nothing except your own understanding.
"""

import jax, jax.numpy as jnp
import numpy as np

NUM_CLASSES = 100000
FEAT_DIM = 64
BATCH = 16384
LAMBDA_C = 1.0


def setup_inputs(seed: int = 0) -> dict:
    key = jax.random.key(seed)
    k1, k2, k3 = jax.random.split(key, 3)
    features = jax.random.normal(k1, (BATCH, FEAT_DIM), dtype=jnp.float32)
    labels = jax.random.randint(k2, (BATCH,), 0, NUM_CLASSES, dtype=jnp.int64)
    centers = jax.random.normal(k3, (NUM_CLASSES, FEAT_DIM), dtype=jnp.float32)
    return {"features": features, "labels": labels, "centers": centers}


def reference(features, labels, centers):
    # centers_batch = self.centers.index_select(0, labels)
    centers_batch = jnp.take(centers, labels, axis=0)
    # center_loss = (features - centers_batch).pow(2).sum(dim=1).mean() * 0.5
    diff = features - centers_batch
    center_loss = jnp.mean(jnp.sum(diff * diff, axis=1)) * 0.5
    return LAMBDA_C * center_loss

if __name__ == "__main__":
    import jax
    _d = setup_inputs()
    print(jax.jit(kernel)(*tuple(_d.values())))

</pallas_src>

<mosaic_0001>
#map = affine_map<(d0, d1) -> (0, 0)>
#map1 = affine_map<(d0, d1) -> (0)>
module attributes {stable_mosaic.version = 14 : i64} {
  func.func @_center_loss_sc(%arg0: i32, %arg1: i32, %arg2: memref<64x16384xf32, #tpu.memory_space<hbm>>, %arg3: memref<16384xi32, #tpu.memory_space<hbm>>, %arg4: memref<64x100000xf32, #tpu.memory_space<hbm>>, %arg5: memref<32x16xf32, #tpu.memory_space<hbm>>, %arg6: memref<8x12544xf32, #tpu.memory_space<vmem>>, %arg7: memref<8x2048xf32, #tpu.memory_space<vmem>>, %arg8: memref<4096xi32, #tpu.memory_space<vmem>>, %arg9: memref<64x32xf32, #tpu.memory_space<vmem>>, %arg10: memref<16xf32, #tpu.memory_space<vmem>>, %arg11: memref<!tpu.dma_semaphore, #tpu.memory_space<semaphore_mem>>, %arg12: memref<!tpu.dma_semaphore, #tpu.memory_space<semaphore_mem>>, %arg13: memref<2x!tpu.dma_semaphore, #tpu.memory_space<semaphore_mem>>, %arg14: memref<!tpu.dma_semaphore, #tpu.memory_space<semaphore_mem>>) attributes {dimension_semantics = [#tpu.dimension_semantics<core_parallel>, #tpu.dimension_semantics<subcore_parallel>], iteration_bounds = array<i64: 2, 16>, scalar_prefetch = 0 : i64, scratch_operands = 9 : i64, tpu.core_type = #tpu.core_type<sc_vector_subcore>, window_params = [{transform_indices = #map}, {transform_indices = #map1}, {transform_indices = #map}, {transform_indices = #map}]} {
    %mul3A = arith.constant 2 : i32
    %mul3A_0 = arith.muli %arg1, %mul3A : i32
    %add3A = arith.addi %mul3A_0, %arg0 : i32
    %shift_right_logical3A = arith.constant 5 : i32
    %shift_right_logical3A_1 = arith.shrui %add3A, %shift_right_logical3A : i32
    %dma_start3A = arith.constant 0 : i32
    %dma_start3A_2 = arith.constant 99968 : i32
    %dma_start3A_3 = tpu.memref_slice %arg4[%dma_start3A, %dma_start3A_2] : memref<64x100000xf32, #tpu.memory_space<hbm>> -> memref<64x32xf32, #tpu.memory_space<hbm>>
    %dma_start3A_4 = arith.constant 0 : i32
    %dma_start3A_5 = arith.constant 99968 : i32
    %dma_start3A_6 = tpu.memref_slice %arg4[%dma_start3A_4, %dma_start3A_5] : memref<64x100000xf32, #tpu.memory_space<hbm>> -> memref<64x32xf32, #tpu.memory_space<hbm>>
    tpu.enqueue_dma source(%dma_start3A_6 : memref<64x32xf32, #tpu.memory_space<hbm>>) target(%arg9 : memref<64x32xf32, #tpu.memory_space<vmem>>) target_semaphore(%arg14 : memref<!tpu.dma_semaphore, #tpu.memory_space<semaphore_mem>>)
    %broadcast_in_dim3A = arith.constant 0.000000e+00 : f32
    %broadcast_in_dim3A_7 = vector.broadcast %broadcast_in_dim3A : f32 to vector<16xf32>
    %scan3A = arith.constant 0 : i32
    %scan3A_8 = arith.constant 2 : i32
    %scan3A_9 = arith.addi %scan3A, %scan3A_8 : i32
    %scan3A_10 = arith.constant 1 : i32
    %scan3A_11 = scf.for %scan3A_17 = %scan3A to %scan3A_9 step %scan3A_10 iter_args(%scan3A_18 = %broadcast_in_dim3A_7) -> (vector<16xf32>)  : i32 {
      %mul3A_19 = arith.constant 2 : i32
      %mul3A_20 = arith.muli %add3A, %mul3A_19 : i32
      %add3A_21 = arith.addi %mul3A_20, %scan3A_17 : i32
      %scan3A_22 = arith.constant 0 : i32
      %scan3A_23 = arith.constant 0 : i32
      %scan3A_24 = arith.constant 8 : i32
      %scan3A_25 = arith.addi %scan3A_23, %scan3A_24 : i32
      %scan3A_26 = arith.constant 1 : i32
      %scan3A_27 = scf.for %scan3A_75 = %scan3A_23 to %scan3A_25 step %scan3A_26 iter_args(%scan3A_76 = %scan3A_22) -> (i32)  : i32 {
        %lt3A = arith.constant 7 : i32
        %lt3A_77 = arith.cmpi slt, %scan3A_75, %lt3A : i32
        %mul3A_78 = arith.constant 12544 : i32
        %mul3A_79 = arith.muli %scan3A_75, %mul3A_78 : i32
        %jit3A = arith.constant 87424 : i32
        %select_n3A = arith.select %lt3A_77, %mul3A_79, %jit3A : i32
        %add3A_80 = arith.addi %scan3A_75, %shift_right_logical3A_1 : i32
        %dma_start3A_81 = arith.constant 0 : i32
        %dma_start3A_82 = tpu.memref_slice %arg6[%add3A_80, %dma_start3A_81] : memref<8x12544xf32, #tpu.memory_space<vmem>> -> memref<1x12544xf32, #tpu.memory_space<vmem>>
        %dma_start3A_83 = tpu.memref_slice %arg4[%add3A_21, %select_n3A] : memref<64x100000xf32, #tpu.memory_space<hbm>> -> memref<1x12544xf32, #tpu.memory_space<hbm>>
        %dma_start3A_84 = arith.constant 0 : i32
        %dma_start3A_85 = tpu.memref_slice %arg6[%add3A_80, %dma_start3A_84] : memref<8x12544xf32, #tpu.memory_space<vmem>> -> memref<1x12544xf32, #tpu.memory_space<vmem>>
        %dma_start3A_86 = tpu.memref_slice %arg4[%add3A_21, %select_n3A] : memref<64x100000xf32, #tpu.memory_space<hbm>> -> memref<1x12544xf32, #tpu.memory_space<hbm>>
        tpu.enqueue_dma source(%dma_start3A_86 : memref<1x12544xf32, #tpu.memory_space<hbm>>) target(%dma_start3A_85 : memref<1x12544xf32, #tpu.memory_space<vmem>>) target_semaphore(%arg11 : memref<!tpu.dma_semaphore, #tpu.memory_space<semaphore_mem>>)
        %scan3A_87 = arith.constant 0 : i32
        scf.yield %scan3A_87 : i32
      }
      %scan3A_28 = arith.constant 8 : i32
      %scan3A_29 = arith.constant 0 : i32
      %scan3A_30 = arith.constant 0 : i32
      %scan3A_31 = arith.constant 8 : i32
      %scan3A_32 = arith.addi %scan3A_30, %scan3A_31 : i32
      %scan3A_33 = arith.constant 1 : i32
      %scan3A_34 = scf.for %scan3A_75 = %scan3A_30 to %scan3A_32 step %scan3A_33 iter_args(%scan3A_76 = %scan3A_29) -> (i32)  : i32 {
        %mul3A_77 = arith.constant 2048 : i32
        %mul3A_78 = arith.muli %scan3A_75, %mul3A_77 : i32
        %add3A_79 = arith.addi %scan3A_75, %shift_right_logical3A_1 : i32
        %dma_start3A_80 = arith.constant 0 : i32
        %dma_start3A_81 = tpu.memref_slice %arg7[%add3A_79, %dma_start3A_80] : memref<8x2048xf32, #tpu.memory_space<vmem>> -> memref<1x2048xf32, #tpu.memory_space<vmem>>
        %dma_start3A_82 = tpu.memref_slice %arg2[%add3A_21, %mul3A_78] : memref<64x16384xf32, #tpu.memory_space<hbm>> -> memref<1x2048xf32, #tpu.memory_space<hbm>>
        %dma_start3A_83 = arith.constant 0 : i32
        %dma_start3A_84 = tpu.memref_slice %arg7[%add3A_79, %dma_start3A_83] : memref<8x2048xf32, #tpu.memory_space<vmem>> -> memref<1x2048xf32, #tpu.memory_space<vmem>>
        %dma_start3A_85 = tpu.memref_slice %arg2[%add3A_21, %mul3A_78] : memref<64x16384xf32, #tpu.memory_space<hbm>> -> memref<1x2048xf32, #tpu.memory_space<hbm>>
        tpu.enqueue_dma source(%dma_start3A_85 : memref<1x2048xf32, #tpu.memory_space<hbm>>) target(%dma_start3A_84 : memref<1x2048xf32, #tpu.memory_space<vmem>>) target_semaphore(%arg12 : memref<!tpu.dma_semaphore, #tpu.memory_space<semaphore_mem>>)
        %scan3A_86 = arith.constant 0 : i32
        scf.yield %scan3A_86 : i32
      }
      %scan3A_35 = arith.constant 8 : i32
      %scan3A_36 = arith.constant 0 : i32
      %scan3A_37 = arith.constant 0 : i32
      %scan3A_38 = arith.constant 2 : i32
      %scan3A_39 = arith.addi %scan3A_37, %scan3A_38 : i32
      %scan3A_40 = arith.constant 1 : i32
      %scan3A_41 = scf.for %scan3A_75 = %scan3A_37 to %scan3A_39 step %scan3A_40 iter_args(%scan3A_76 = %scan3A_36) -> (i32)  : i32 {
        %mul3A_77 = arith.constant 2048 : i32
        %mul3A_78 = arith.muli %scan3A_75, %mul3A_77 : i32
        %mul3A_79 = arith.constant 2048 : i32
        %mul3A_80 = arith.muli %scan3A_75, %mul3A_79 : i32
        %dma_start3A_81 = tpu.memref_slice %arg8[%mul3A_80] : memref<4096xi32, #tpu.memory_space<vmem>> -> memref<2048xi32, #tpu.memory_space<vmem>>
        %dma_start3A_82 = tpu.memref_slice %arg3[%mul3A_78] : memref<16384xi32, #tpu.memory_space<hbm>> -> memref<2048xi32, #tpu.memory_space<hbm>>
        %dma_start3A_83 = tpu.memref_slice %arg13[%scan3A_75] : memref<2x!tpu.dma_semaphore, #tpu.memory_space<semaphore_mem>> -> memref<1x!tpu.dma_semaphore, #tpu.memory_space<semaphore_mem>>
        %dma_start3A_84 = tpu.memref_squeeze %dma_start3A_83 : memref<1x!tpu.dma_semaphore, #tpu.memory_space<semaphore_mem>> -> memref<!tpu.dma_semaphore, #tpu.memory_space<semaphore_mem>>
        %dma_start3A_85 = tpu.memref_slice %arg8[%mul3A_80] : memref<4096xi32, #tpu.memory_space<vmem>> -> memref<2048xi32, #tpu.memory_space<vmem>>
        %dma_start3A_86 = tpu.memref_slice %arg3[%mul3A_78] : memref<16384xi32, #tpu.memory_space<hbm>> -> memref<2048xi32, #tpu.memory_space<hbm>>
        tpu.enqueue_dma source(%dma_start3A_86 : memref<2048xi32, #tpu.memory_space<hbm>>) target(%dma_start3A_85 : memref<2048xi32, #tpu.memory_space<vmem>>) target_semaphore(%dma_start3A_84 : memref<!tpu.dma_semaphore, #tpu.memory_space<semaphore_mem>>)
        %scan3A_87 = arith.constant 0 : i32
        scf.yield %scan3A_87 : i32
      }
      %scan3A_42 = arith.constant 2 : i32
      %dma_wait3A = arith.constant 0 : i32
      %dma_wait3A_43 = arith.constant 0 : i32
      %dma_wait3A_44 = tpu.memref_slice %arg4[%dma_wait3A, %dma_wait3A_43] : memref<64x100000xf32, #tpu.memory_space<hbm>> -> memref<8x12544xf32, #tpu.memory_space<hbm>>
      %dma_wait3A_45 = arith.constant 0 : i32
      %dma_wait3A_46 = arith.constant 0 : i32
      %dma_wait3A_47 = tpu.memref_slice %arg4[%dma_wait3A_45, %dma_wait3A_46] : memref<64x100000xf32, #tpu.memory_space<hbm>> -> memref<8x12544xf32, #tpu.memory_space<hbm>>
      tpu.wait_dma2 semaphore(%arg11 : memref<!tpu.dma_semaphore, #tpu.memory_space<semaphore_mem>>) src(%dma_wait3A_47 : memref<8x12544xf32, #tpu.memory_space<hbm>>) dst(%arg6 : memref<8x12544xf32, #tpu.memory_space<vmem>>)
      %dma_wait3A_48 = arith.constant 0 : i32
      %dma_wait3A_49 = arith.constant 0 : i32
      %dma_wait3A_50 = tpu.memref_slice %arg2[%dma_wait3A_48, %dma_wait3A_49] : memref<64x16384xf32, #tpu.memory_space<hbm>> -> memref<8x2048xf32, #tpu.memory_space<hbm>>
      %dma_wait3A_51 = arith.constant 0 : i32
      %dma_wait3A_52 = arith.constant 0 : i32
      %dma_wait3A_53 = tpu.memref_slice %arg2[%dma_wait3A_51, %dma_wait3A_52] : memref<64x16384xf32, #tpu.memory_space<hbm>> -> memref<8x2048xf32, #tpu.memory_space<hbm>>
      tpu.wait_dma2 semaphore(%arg12 : memref<!tpu.dma_semaphore, #tpu.memory_space<semaphore_mem>>) src(%dma_wait3A_53 : memref<8x2048xf32, #tpu.memory_space<hbm>>) dst(%arg7 : memref<8x2048xf32, #tpu.memory_space<vmem>>)
      %eq3A = arith.constant 0 : i32
      %eq3A_54 = arith.cmpi eq, %scan3A_17, %eq3A : i32
      %convert_element_type3A = arith.extui %eq3A_54 : i1 to i32
      %cond3A = arith.constant 0 : i32
      %cond3A_55 = arith.cmpi ne, %convert_element_type3A, %cond3A : i32
      scf.if %cond3A_55 {
        %dma_wait3A_75 = arith.constant 0 : i32
        %dma_wait3A_76 = arith.constant 99968 : i32
        %dma_wait3A_77 = tpu.memref_slice %arg4[%dma_wait3A_75, %dma_wait3A_76] : memref<64x100000xf32, #tpu.memory_space<hbm>> -> memref<64x32xf32, #tpu.memory_space<hbm>>
        %dma_wait3A_78 = arith.constant 0 : i32
        %dma_wait3A_79 = arith.constant 99968 : i32
        %dma_wait3A_80 = tpu.memref_slice %arg4[%dma_wait3A_78, %dma_wait3A_79] : memref<64x100000xf32, #tpu.memory_space<hbm>> -> memref<64x32xf32, #tpu.memory_space<hbm>>
        tpu.wait_dma2 semaphore(%arg14 : memref<!tpu.dma_semaphore, #tpu.memory_space<semaphore_mem>>) src(%dma_wait3A_80 : memref<64x32xf32, #tpu.memory_space<hbm>>) dst(%arg9 : memref<64x32xf32, #tpu.memory_space<vmem>>)
      } else {
      }
      %add3A_56 = arith.constant 7 : i32
      %add3A_57 = arith.addi %add3A_56, %shift_right_logical3A_1 : i32
      %get3A = arith.index_cast %add3A_21 : i32 to index
      %get3A_58 = arith.constant 0 : index
      %get3A_59 = tpu.vector_load %arg9[%get3A, %get3A_58] {strides = array<i32>} : memref<64x32xf32, #tpu.memory_space<vmem>>, vector<16xf32>,
      %swap3A_60 = arith.index_cast %add3A_57 : i32 to index
      %swap3A_61 = arith.constant 0 : index
      %swap3A_62 = tpu.vector_load %arg6[%swap3A_60, %swap3A_61] {strides = array<i32>} : memref<8x12544xf32, #tpu.memory_space<vmem>>, vector<16xf32>,
      tpu.vector_store %arg6[%swap3A_60, %swap3A_61], %get3A_59 {strides = array<i32>} : memref<8x12544xf32, #tpu.memory_space<vmem>>, vector<16xf32>,
      %get3A_63 = arith.index_cast %add3A_21 : i32 to index
      %get3A_64 = arith.constant 16 : index
      %get3A_65 = tpu.vector_load %arg9[%get3A_63, %get3A_64] {strides = array<i32>} : memref<64x32xf32, #tpu.memory_space<vmem>>, vector<16xf32>,
      %swap3A_66 = arith.index_cast %add3A_57 : i32 to index
      %swap3A_67 = arith.constant 16 : index
      %swap3A_68 = tpu.vector_load %arg6[%swap3A_66, %swap3A_67] {strides = array<i32>} : memref<8x12544xf32, #tpu.memory_space<vmem>>, vector<16xf32>,
      tpu.vector_store %arg6[%swap3A_66, %swap3A_67], %get3A_65 {strides = array<i32>} : memref<8x12544xf32, #tpu.memory_space<vmem>>, vector<16xf32>,
      %scan3A_69 = arith.constant 0 : i32
      %scan3A_70 = arith.constant 8 : i32
      %scan3A_71 = arith.addi %scan3A_69, %scan3A_70 : i32
      %scan3A_72 = arith.constant 1 : i32
      %scan3A_73 = scf.for %scan3A_75 = %scan3A_69 to %scan3A_71 step %scan3A_72 iter_args(%scan3A_76 = %scan3A_18) -> (vector<16xf32>)  : i32 {
        %jit3A = arith.constant 2 : i32
        %eq3A_77 = arith.constant 0 : i32
        %eq3A_78 = arith.cmpi eq, %jit3A, %eq3A_77 : i32
        %jit3A_79 = arith.constant 1 : i32
        %select_n3A = arith.select %eq3A_78, %jit3A_79, %jit3A : i32
        %rem3A = arith.remsi %scan3A_75, %select_n3A : i32
        %ne3A = arith.constant 0 : i32
        %ne3A_80 = arith.cmpi ne, %rem3A, %ne3A : i32
        %lt3A = arith.constant 0 : i32
        %lt3A_81 = arith.cmpi slt, %rem3A, %lt3A : i32
        %lt3A_82 = arith.constant 0 : i32
        %lt3A_83 = arith.cmpi slt, %select_n3A, %lt3A_82 : i32
        %ne3A_84 = arith.xori %lt3A_81, %lt3A_83 : i1
        %and3A = arith.andi %ne3A_84, %ne3A_80 : i1
        %add3A_85 = arith.addi %rem3A, %select_n3A : i32
        %select_n3A_86 = arith.select %and3A, %add3A_85, %rem3A : i32
        %mul3A_87 = arith.constant 2048 : i32
        %mul3A_88 = arith.muli %select_n3A_86, %mul3A_87 : i32
        %dma_wait3A_89 = tpu.memref_slice %arg8[%mul3A_88] : memref<4096xi32, #tpu.memory_space<vmem>> -> memref<2048xi32, #tpu.memory_space<vmem>>
        %dma_wait3A_90 = arith.constant 0 : i32
        %dma_wait3A_91 = tpu.memref_slice %arg3[%dma_wait3A_90] : memref<16384xi32, #tpu.memory_space<hbm>> -> memref<2048xi32, #tpu.memory_space<hbm>>
        %dma_wait3A_92 = tpu.memref_slice %arg13[%select_n3A_86] : memref<2x!tpu.dma_semaphore, #tpu.memory_space<semaphore_mem>> -> memref<1x!tpu.dma_semaphore, #tpu.memory_space<semaphore_mem>>
        %dma_wait3A_93 = tpu.memref_squeeze %dma_wait3A_92 : memref<1x!tpu.dma_semaphore, #tpu.memory_space<semaphore_mem>> -> memref<!tpu.dma_semaphore, #tpu.memory_space<semaphore_mem>>
        %dma_wait3A_94 = tpu.memref_slice %arg8[%mul3A_88] : memref<4096xi32, #tpu.memory_space<vmem>> -> memref<2048xi32, #tpu.memory_space<vmem>>
        %dma_wait3A_95 = arith.constant 0 : i32
        %dma_wait3A_96 = tpu.memref_slice %arg3[%dma_wait3A_95] : memref<16384xi32, #tpu.memory_space<hbm>> -> memref<2048xi32, #tpu.memory_space<hbm>>
        tpu.wait_dma2 semaphore(%dma_wait3A_93 : memref<!tpu.dma_semaphore, #tpu.memory_space<semaphore_mem>>) src(%dma_wait3A_96 : memref<2048xi32, #tpu.memory_space<hbm>>) dst(%dma_wait3A_94 : memref<2048xi32, #tpu.memory_space<vmem>>)
        %scan3A_97 = arith.constant 0 : i32
        %scan3A_98 = arith.constant 128 : i32
        %scan3A_99 = arith.addi %scan3A_97, %scan3A_98 : i32
        %scan3A_100 = arith.constant 4 : i32
        %scan3A_101 = scf.for %scan3A_110 = %scan3A_97 to %scan3A_99 step %scan3A_100 iter_args(%scan3A_111 = %scan3A_76) -> (vector<16xf32>)  : i32 {
          %mul3A_112 = arith.constant 2048 : i32
          %mul3A_113 = arith.muli %select_n3A_86, %mul3A_112 : i32
          %mul3A_114 = arith.constant 16 : i32
          %mul3A_115 = arith.muli %scan3A_110, %mul3A_114 : i32
          %add3A_116 = arith.addi %mul3A_113, %mul3A_115 : i32
          %get3A_117 = arith.index_cast %add3A_116 : i32 to index
          %get3A_118 = tpu.vector_load %arg8[%get3A_117] {strides = array<i32>} : memref<4096xi32, #tpu.memory_space<vmem>>, vector<16xi32>,
          %shift_right_logical3A_119 = arith.constant 14 : i32
          %shift_right_logical3A_120 = vector.broadcast %shift_right_logical3A_119 : i32 to vector<16xi32>
          %shift_right_logical3A_121 = arith.shrui %get3A_118, %shift_right_logical3A_120 : vector<16xi32>
          %and3A_122 = arith.constant 16383 : i32
          %and3A_123 = vector.broadcast %and3A_122 : i32 to vector<16xi32>
          %and3A_124 = arith.andi %get3A_118, %and3A_123 : vector<16xi32>
          %gather3A = tpu.vector_load_idx %arg6[%shift_right_logical3A_121, %and3A_124] : memref<8x12544xf32, #tpu.memory_space<vmem>>[vector<16xi32>, vector<16xi32>], vector<16xf32>,
          %add3A_125 = arith.addi %scan3A_75, %shift_right_logical3A_1 : i32
          %mul3A_126 = arith.constant 16 : i32
          %mul3A_127 = arith.muli %scan3A_110, %mul3A_126 : i32
          %get3A_128 = arith.index_cast %add3A_125 : i32 to index
          %get3A_129 = arith.index_cast %mul3A_127 : i32 to index
          %get3A_130 = tpu.vector_load %arg7[%get3A_128, %get3A_129] {strides = array<i32>} : memref<8x2048xf32, #tpu.memory_space<vmem>>, vector<16xf32>,
          %sub3A = arith.subf %get3A_130, %gather3A : vector<16xf32>
          %mul3A_131 = arith.mulf %sub3A, %sub3A : vector<16xf32>
          %add3A_132 = arith.addf %scan3A_111, %mul3A_131 : vector<16xf32>
          %scan3A_133 = arith.constant 1 : i32
          %scan3A_134 = arith.addi %scan3A_110, %scan3A_133 : i32
          %mul3A_135 = arith.constant 2048 : i32
          %mul3A_136 = arith.muli %select_n3A_86, %mul3A_135 : i32
          %mul3A_137 = arith.constant 16 : i32
          %mul3A_138 = arith.muli %scan3A_134, %mul3A_137 : i32
          %add3A_139 = arith.addi %mul3A_136, %mul3A_138 : i32
          %get3A_140 = arith.index_cast %add3A_139 : i32 to index
          %get3A_141 = tpu.vector_load %arg8[%get3A_140] {strides = array<i32>} : memref<4096xi32, #tpu.memory_space<vmem>>, vector<16xi32>,
          %shift_right_logical3A_142 = arith.constant 14 : i32
          %shift_right_logical3A_143 = vector.broadcast %shift_right_logical3A_142 : i32 to vector<16xi32>
          %shift_right_logical3A_144 = arith.shrui %get3A_141, %shift_right_logical3A_143 : vector<16xi32>
          %and3A_145 = arith.constant 16383 : i32
          %and3A_146 = vector.broadcast %and3A_145 : i32 to vector<16xi32>
          %and3A_147 = arith.andi %get3A_141, %and3A_146 : vector<16xi32>
          %gather3A_148 = tpu.vector_load_idx %arg6[%shift_right_logical3A_144, %and3A_147] : memref<8x12544xf32, #tpu.memory_space<vmem>>[vector<16xi32>, vector<16xi32>], vector<16xf32>,
          %add3A_149 = arith.addi %scan3A_75, %shift_right_logical3A_1 : i32
          %mul3A_150 = arith.constant 16 : i32
          %mul3A_151 = arith.muli %scan3A_134, %mul3A_150 : i32
          %get3A_152 = arith.index_cast %add3A_149 : i32 to index
          %get3A_153 = arith.index_cast %mul3A_151 : i32 to index
          %get3A_154 = tpu.vector_load %arg7[%get3A_152, %get3A_153] {strides = array<i32>} : memref<8x2048xf32, #tpu.memory_space<vmem>>, vector<16xf32>,
          %sub3A_155 = arith.subf %get3A_154, %gather3A_148 : vector<16xf32>
          %mul3A_156 = arith.mulf %sub3A_155, %sub3A_155 : vector<16xf32>
          %add3A_157 = arith.addf %add3A_132, %mul3A_156 : vector<16xf32>
          %scan3A_158 = arith.constant 2 : i32
          %scan3A_159 = arith.addi %scan3A_110, %scan3A_158 : i32
          %mul3A_160 = arith.constant 2048 : i32
          %mul3A_161 = arith.muli %select_n3A_86, %mul3A_160 : i32
          %mul3A_162 = arith.constant 16 : i32
          %mul3A_163 = arith.muli %scan3A_159, %mul3A_162 : i32
          %add3A_164 = arith.addi %mul3A_161, %mul3A_163 : i32
          %get3A_165 = arith.index_cast %add3A_164 : i32 to index
          %get3A_166 = tpu.vector_load %arg8[%get3A_165] {strides = array<i32>} : memref<4096xi32, #tpu.memory_space<vmem>>, vector<16xi32>,
          %shift_right_logical3A_167 = arith.constant 14 : i32
          %shift_right_logical3A_168 = vector.broadcast %shift_right_logical3A_167 : i32 to vector<16xi32>
          %shift_right_logical3A_169 = arith.shrui %get3A_166, %shift_right_logical3A_168 : vector<16xi32>
          %and3A_170 = arith.constant 16383 : i32
          %and3A_171 = vector.broadcast %and3A_170 : i32 to vector<16xi32>
          %and3A_172 = arith.andi %get3A_166, %and3A_171 : vector<16xi32>
          %gather3A_173 = tpu.vector_load_idx %arg6[%shift_right_logical3A_169, %and3A_172] : memref<8x12544xf32, #tpu.memory_space<vmem>>[vector<16xi32>, vector<16xi32>], vector<16xf32>,
          %add3A_174 = arith.addi %scan3A_75, %shift_right_logical3A_1 : i32
          %mul3A_175 = arith.constant 16 : i32
          %mul3A_176 = arith.muli %scan3A_159, %mul3A_175 : i32
          %get3A_177 = arith.index_cast %add3A_174 : i32 to index
          %get3A_178 = arith.index_cast %mul3A_176 : i32 to index
          %get3A_179 = tpu.vector_load %arg7[%get3A_177, %get3A_178] {strides = array<i32>} : memref<8x2048xf32, #tpu.memory_space<vmem>>, vector<16xf32>,
          %sub3A_180 = arith.subf %get3A_179, %gather3A_173 : vector<16xf32>
          %mul3A_181 = arith.mulf %sub3A_180, %sub3A_180 : vector<16xf32>
          %add3A_182 = arith.addf %add3A_157, %mul3A_181 : vector<16xf32>
          %scan3A_183 = arith.constant 3 : i32
          %scan3A_184 = arith.addi %scan3A_110, %scan3A_183 : i32
          %mul3A_185 = arith.constant 2048 : i32
          %mul3A_186 = arith.muli %select_n3A_86, %mul3A_185 : i32
          %mul3A_187 = arith.constant 16 : i32
          %mul3A_188 = arith.muli %scan3A_184, %mul3A_187 : i32
          %add3A_189 = arith.addi %mul3A_186, %mul3A_188 : i32
          %get3A_190 = arith.index_cast %add3A_189 : i32 to index
          %get3A_191 = tpu.vector_load %arg8[%get3A_190] {strides = array<i32>} : memref<4096xi32, #tpu.memory_space<vmem>>, vector<16xi32>,
          %shift_right_logical3A_192 = arith.constant 14 : i32
          %shift_right_logical3A_193 = vector.broadcast %shift_right_logical3A_192 : i32 to vector<16xi32>
          %shift_right_logical3A_194 = arith.shrui %get3A_191, %shift_right_logical3A_193 : vector<16xi32>
          %and3A_195 = arith.constant 16383 : i32
          %and3A_196 = vector.broadcast %and3A_195 : i32 to vector<16xi32>
          %and3A_197 = arith.andi %get3A_191, %and3A_196 : vector<16xi32>
          %gather3A_198 = tpu.vector_load_idx %arg6[%shift_right_logical3A_194, %and3A_197] : memref<8x12544xf32, #tpu.memory_space<vmem>>[vector<16xi32>, vector<16xi32>], vector<16xf32>,
          %add3A_199 = arith.addi %scan3A_75, %shift_right_logical3A_1 : i32
          %mul3A_200 = arith.constant 16 : i32
          %mul3A_201 = arith.muli %scan3A_184, %mul3A_200 : i32
          %get3A_202 = arith.index_cast %add3A_199 : i32 to index
          %get3A_203 = arith.index_cast %mul3A_201 : i32 to index
          %get3A_204 = tpu.vector_load %arg7[%get3A_202, %get3A_203] {strides = array<i32>} : memref<8x2048xf32, #tpu.memory_space<vmem>>, vector<16xf32>,
          %sub3A_205 = arith.subf %get3A_204, %gather3A_198 : vector<16xf32>
          %mul3A_206 = arith.mulf %sub3A_205, %sub3A_205 : vector<16xf32>
          %add3A_207 = arith.addf %add3A_182, %mul3A_206 : vector<16xf32>
          scf.yield %add3A_207 : vector<16xf32>
        }
        %scan3A_102 = arith.constant 128 : i32
        %add3A_103 = arith.constant 2 : i32
        %add3A_104 = arith.addi %scan3A_75, %add3A_103 : i32
        %lt3A_105 = arith.constant 8 : i32
        %lt3A_106 = arith.cmpi slt, %add3A_104, %lt3A_105 : i32
        %convert_element_type3A_107 = arith.extui %lt3A_106 : i1 to i32
        %cond3A_108 = arith.constant 0 : i32
        %cond3A_109 = arith.cmpi ne, %convert_element_type3A_107, %cond3A_108 : i32
        scf.if %cond3A_109 {
          %add3A_110 = arith.constant 2 : i32
          %add3A_111 = arith.addi %scan3A_75, %add3A_110 : i32
          %mul3A_112 = arith.constant 2048 : i32
          %mul3A_113 = arith.muli %add3A_111, %mul3A_112 : i32
          %mul3A_114 = arith.constant 2048 : i32
          %mul3A_115 = arith.muli %select_n3A_86, %mul3A_114 : i32
          %dma_start3A_116 = tpu.memref_slice %arg8[%mul3A_115] : memref<4096xi32, #tpu.memory_space<vmem>> -> memref<2048xi32, #tpu.memory_space<vmem>>
          %dma_start3A_117 = tpu.memref_slice %arg3[%mul3A_113] : memref<16384xi32, #tpu.memory_space<hbm>> -> memref<2048xi32, #tpu.memory_space<hbm>>
          %dma_start3A_118 = tpu.memref_slice %arg13[%select_n3A_86] : memref<2x!tpu.dma_semaphore, #tpu.memory_space<semaphore_mem>> -> memref<1x!tpu.dma_semaphore, #tpu.memory_space<semaphore_mem>>
          %dma_start3A_119 = tpu.memref_squeeze %dma_start3A_118 : memref<1x!tpu.dma_semaphore, #tpu.memory_space<semaphore_mem>> -> memref<!tpu.dma_semaphore, #tpu.memory_space<semaphore_mem>>
          %dma_start3A_120 = tpu.memref_slice %arg8[%mul3A_115] : memref<4096xi32, #tpu.memory_space<vmem>> -> memref<2048xi32, #tpu.memory_space<vmem>>
          %dma_start3A_121 = tpu.memref_slice %arg3[%mul3A_113] : memref<16384xi32, #tpu.memory_space<hbm>> -> memref<2048xi32, #tpu.memory_space<hbm>>
          tpu.enqueue_dma source(%dma_start3A_121 : memref<2048xi32, #tpu.memory_space<hbm>>) target(%dma_start3A_120 : memref<2048xi32, #tpu.memory_space<vmem>>) target_semaphore(%dma_start3A_119 : memref<!tpu.dma_semaphore, #tpu.memory_space<semaphore_mem>>)
        } else {
        }
        scf.yield %scan3A_101 : vector<16xf32>
      }
      %scan3A_74 = arith.constant 8 : i32
      scf.yield %scan3A_73 : vector<16xf32>
    }
    %scan3A_12 = arith.constant 2 : i32
    %mul3A_13 = arith.constant 3.05175781E-5 : f32
    %mul3A_14 = vector.broadcast %mul3A_13 : f32 to vector<16xf32>
    %mul3A_15 = arith.mulf %scan3A_11, %mul3A_14 : vector<16xf32>
    %swap3A = arith.constant 0 : index
    %swap3A_16 = tpu.vector_load %arg10[%swap3A] {strides = array<i32>} : memref<16xf32, #tpu.memory_space<vmem>>, vector<16xf32>,
    tpu.vector_store %arg10[%swap3A], %mul3A_15 {strides = array<i32>} : memref<16xf32, #tpu.memory_space<vmem>>, vector<16xf32>,
    "tpu.region"() ({
      %run_scoped3A = tpu.sem_alloc : memref<!tpu.dma_semaphore, #tpu.memory_space<semaphore_mem>>
      %dma_start3A_17 = arith.constant 0 : i32
      %dma_start3A_18 = tpu.memref_slice %arg5[%add3A, %dma_start3A_17] : memref<32x16xf32, #tpu.memory_space<hbm>> -> memref<1x16xf32, #tpu.memory_space<hbm>>
      %dma_start3A_19 = tpu.memref_squeeze %dma_start3A_18 : memref<1x16xf32, #tpu.memory_space<hbm>> -> memref<16xf32, #tpu.memory_space<hbm>>
      %dma_start3A_20 = arith.constant 0 : i32
      %dma_start3A_21 = tpu.memref_slice %arg5[%add3A, %dma_start3A_20] : memref<32x16xf32, #tpu.memory_space<hbm>> -> memref<1x16xf32, #tpu.memory_space<hbm>>
      %dma_start3A_22 = tpu.memref_squeeze %dma_start3A_21 : memref<1x16xf32, #tpu.memory_space<hbm>> -> memref<16xf32, #tpu.memory_space<hbm>>
      tpu.enqueue_dma source(%arg10 : memref<16xf32, #tpu.memory_space<vmem>>) target(%dma_start3A_22 : memref<16xf32, #tpu.memory_space<hbm>>) target_semaphore(%run_scoped3A : memref<!tpu.dma_semaphore, #tpu.memory_space<semaphore_mem>>)
      %dma_wait3A = arith.constant 0 : i32
      %dma_wait3A_23 = tpu.memref_slice %arg5[%add3A, %dma_wait3A] : memref<32x16xf32, #tpu.memory_space<hbm>> -> memref<1x16xf32, #tpu.memory_space<hbm>>
      %dma_wait3A_24 = tpu.memref_squeeze %dma_wait3A_23 : memref<1x16xf32, #tpu.memory_space<hbm>> -> memref<16xf32, #tpu.memory_space<hbm>>
      %dma_wait3A_25 = arith.constant 0 : i32
      %dma_wait3A_26 = tpu.memref_slice %arg5[%add3A, %dma_wait3A_25] : memref<32x16xf32, #tpu.memory_space<hbm>> -> memref<1x16xf32, #tpu.memory_space<hbm>>
      %dma_wait3A_27 = tpu.memref_squeeze %dma_wait3A_26 : memref<1x16xf32, #tpu.memory_space<hbm>> -> memref<16xf32, #tpu.memory_space<hbm>>
      tpu.wait_dma2 semaphore(%run_scoped3A : memref<!tpu.dma_semaphore, #tpu.memory_space<semaphore_mem>>) src(%arg10 : memref<16xf32, #tpu.memory_space<vmem>>) dst(%dma_wait3A_27 : memref<16xf32, #tpu.memory_space<hbm>>)
      tpu.yield
    }) : () -> ()
    return
  }
}

</mosaic_0001>

<sc_bundles>
// kernel: kernel.3.cloned.1.call-start
scs
__scs_entry_jumppad:
0x0: {  	(pc) =	sbr.rel $0x88, $3  }
0x1: {  	(tag) =	ssettag $0x0;
	lr =	simm.s32 $0x1  }
0x2: {  	[smem:$0x3F9E] =	sst lr;
	_ =	strace $0xD0000000  }
0x3: {  	_ = 	snop  }
0x4: {  	_ = 	snop  }
0x5: {  	_ = 	snop  }
0x6: {  	_ = 	snop  }
0x7: {  	_ = 	snop  }
__scs_overlays_trampoline_lowered:
0x8: {  	[smem:$0x3FAD] =	sst s0  }
0x9: {  	[smem:$0x3FAE] =	sst s1  }
0xa: {  	[smem:$0x3FAF] =	sst s2  }
0xb: {  	[smem:$0x3FB0] =	sst s3  }
0xc: {  	[smem:$0x3FB1] =	sst s4  }
0xd: {  	[smem:$0x3FB2] =	sst s5  }
0xe: {  	[smem:$0x3FB3] =	sst s6  }
0xf: {  	[smem:$0x3FB4] =	sst s7  }
0x10: {  	[smem:$0x3FB5] =	sst s8  }
0x11: {  	[smem:$0x3FB6] =	sst s9;
	s0 =	simm.s32 @!p0 $0x0  }
0x12: {  	s1 =	sld [smem:$0x3F9C];
	s0 =	simm.s32 @p0 $0x1  }
0x13: {  	[smem:$0x3FB7] =	sst s0;
	s0 =	simm.s32 @!p1 $0x0  }
0x14: {  	s2 =	sld [smem:$0x3F9B];
	s0 =	simm.s32 @p1 $0x1  }
0x15: {  	[smem:$0x3FB8] =	sst s0;
	s0 =	simm.s32 @!p2 $0x0  }
0x16: {  	s3 =	sld [smem:$0x3FDB];
	s0 =	simm.s32 @p2 $0x1  }
0x17: {  	s4 =	simm.s32 $0x1BF5;
	[smem:$0x3FBA] =	sst s0  }
0x18: {  	s0 =	sld [smem:$0x3F9D];
	_ =	swait.ge [sflag:s4], $0x0  }
0x19: {  	s7 =	sld [smem:$0x3F9E]  }
0x1a: {  	s8 =	sadd.s32 $0xFFFFE003, lr  }
0x1b: {  	s9 =	sadd.s32 $0xFFFFFEF7, lr;
	s5 =	simm.s32 $0xFFFFFFFF;
	p2 =	slt.u32 s8, $0xFFFFF086  }
0x1c: {  	p1 =	slt.u32 s9, $0xF7A;
	s5 =	simm.s32 @!p2 $0x0  }
0x1d: {  	s5 =	simm.s32 @p1 $0x1;
	p0 =	seq.s32 s7, s2  }
0x1e: {  	s7 =	smul.u32 @!p0 $0xF7A, s2;
	p2 =	seq.s32 @!p0 s5, $0x0  }
0x1f: {  	s9 =	smul.u32 $0xF7A, s1;
	s8 =	simm.s32 @!p0 $0x1BF5;
	p2 =	por !p2, p0  }
0x20: {  	[sflag:s8] =	ssyncset.s32 @!p0 $0xFFFFF086;
	s6 =	sadd.s32 @!p0 s3, s7;
	s7 =	simm.s32 @!p0 $0x108  }
0x21: {  	s3 =	sadd.s32 s3, s9;
	s6 =	sadd.s32 @!p0 $0x88, s6;
	s7 =	simm.s32 @p2 $0x1082  }
0x22: {  	[simem:s7], [sflag:s8] =	dma.local @!p0 [hbm:s6], $0xF7A  }
0x23: {  	s9 =	sor.u32 $0xD0000000, s2;
	s6 =	simm.s32 $0x108;
	_ =	swait.ge @!p0 [sflag:s8], $0x0  }
0x24: {  	s3 =	sadd.s32 $0x88, s3;
	s6 =	simm.s32 @!p1 $0x1082;
	[sflag:s4] =	ssyncset.s32 $0xFFFFF086  }
0x25: {  	[simem:s6], [sflag:s4] =	dma.local [hbm:s3], $0xF7A  }
0x26: {  	[smem:$0x3F9E] =	sst s1;
	(tag) =	ssettag s2;
	_ =	strace s9  }
0x27: {  	s1 =	sld [smem:$0x3FAE]  }
0x28: {  	s2 =	sld [smem:$0x3FAF]  }
0x29: {  	s4 =	sld [smem:$0x3FB1]  }
0x2a: {  	p0 =	seq.s32 s5, $0x0;
	s5 =	sld [smem:$0x3FB2]  }
0x2b: {  	s6 =	sld [smem:$0x3FB3]  }
0x2c: {  	s7 =	sld [smem:$0x3FB4]  }
0x2d: {  	s3 =	simm.s32 $0x108;
	s8 =	sld [smem:$0x3FB5]  }
0x2e: {  	s3 =	simm.s32 @!p0 $0x1082;
	s9 =	sld [smem:$0x3FB6]  }
0x2f: {  	lr =	sadd.s32 s0, s3;
	s0 =	sld [smem:$0x3FAD]  }
0x30: {  	s3 =	sld [smem:$0x3FB0]  }
0x31: {  	[smem:$0x3FB9] =	sst s10  }
0x32: {  	s10 =	sld [smem:$0x3FB7];
	_ =	sdelay $0x3  }
0x33: {  	p0 =	seq.s32 s10, $0x1;
	s10 =	sld [smem:$0x3FB9];
	_ =	sdelay $0x3  }
0x34: {  	[smem:$0x3FB9] =	sst s10  }
0x35: {  	s10 =	sld [smem:$0x3FB8];
	_ =	sdelay $0x3  }
0x36: {  	p1 =	seq.s32 s10, $0x1;
	s10 =	sld [smem:$0x3FB9];
	_ =	sdelay $0x3  }
0x37: {  	[smem:$0x3FB9] =	sst s10  }
0x38: {  	s10 =	sld [smem:$0x3FBA]  }
0x39: {  	_ = 	snop;
	(pc) =	sbr.ind lr, $3  }
0x3a: {  	_ = 	snop  }
0x3b: {  	_ = 	snop  }
0x3c: {  	p2 =	seq.s32 s10, $0x1;
	s10 =	sld [smem:$0x3FB9]  }
0x3d: {  	_ =	shalt  }
0x3e: {  	_ =	shalt  }
0x3f: {  	_ =	shalt  }
0x40: {  	_ =	shalt  }
0x41: {  	_ =	shalt  }
0x42: {  	_ =	shalt  }
0x43: {  	_ =	shalt  }
0x44: {  	_ =	shalt  }
0x45: {  	_ =	shalt  }
0x46: {  	_ =	shalt  }
0x47: {  	_ =	shalt  }
0x48: {  	_ =	shalt  }
0x49: {  	_ =	shalt  }
0x4a: {  	_ =	shalt  }
0x4b: {  	_ =	shalt  }
0x4c: {  	_ =	shalt  }
0x4d: {  	_ =	shalt  }
0x4e: {  	_ =	shalt  }
0x4f: {  	_ =	shalt  }
0x50: {  	_ =	shalt  }
0x51: {  	_ =	shalt  }
0x52: {  	_ =	shalt  }
0x53: {  	_ =	shalt  }
0x54: {  	_ =	shalt  }
0x55: {  	_ =	shalt  }
0x56: {  	_ =	shalt  }
0x57: {  	_ =	shalt  }
0x58: {  	_ =	shalt  }
0x59: {  	_ =	shalt  }
0x5a: {  	_ =	shalt  }
0x5b: {  	_ =	shalt  }
0x5c: {  	_ =	shalt  }
0x5d: {  	_ =	shalt  }
0x5e: {  	_ =	shalt  }
0x5f: {  	_ =	shalt  }
0x60: {  	_ =	shalt  }
0x61: {  	_ =	shalt  }
0x62: {  	_ =	shalt  }
0x63: {  	_ =	shalt  }
0x64: {  	_ =	shalt  }
0x65: {  	_ =	shalt  }
0x66: {  	_ =	shalt  }
0x67: {  	_ =	shalt  }
0x68: {  	_ =	shalt  }
0x69: {  	_ =	shalt  }
0x6a: {  	_ =	shalt  }
0x6b: {  	_ =	shalt  }
0x6c: {  	_ =	shalt  }
0x6d: {  	_ =	shalt  }
0x6e: {  	_ =	shalt  }
0x6f: {  	_ =	shalt  }
0x70: {  	_ =	shalt  }
0x71: {  	_ =	shalt  }
0x72: {  	_ =	shalt  }
0x73: {  	_ =	shalt  }
0x74: {  	_ =	shalt  }
0x75: {  	_ =	shalt  }
0x76: {  	_ =	shalt  }
0x77: {  	_ =	shalt  }
0x78: {  	_ =	shalt  }
0x79: {  	_ =	shalt  }
0x7a: {  	_ =	shalt  }
0x7b: {  	_ =	shalt  }
0x7c: {  	_ =	shalt  }
0x7d: {  	_ =	shalt  }
0x7e: {  	_ =	shalt  }
0x7f: {  	_ =	shalt  }
0x80: {  	_ =	shalt  }
0x81: {  	_ =	shalt  }
0x82: {  	_ =	shalt  }
0x83: {  	_ =	shalt  }
0x84: {  	_ =	shalt  }
0x85: {  	_ =	shalt  }
0x86: {  	_ =	shalt  }
0x87: {  	_ =	shalt  }
.Lfunc_end0:
.L_simem_size_0:
called_computation_lowered:
.L_overlay_start_0:
0x88: {  	s2 =	sld [smem:$0x3FD9]  }
0x89: {  	s3 =	sld [smem:$0x3FFE];
	_ =	sdelay $0x1  }
0x8a: {  	s1 =	srdreg.scid  }
0x8b: {  	s0 =	sand.u32 $0x1, s1  }
0x8c: {  	s17 =	sshll.u32 s0, $0xA;
	s2 =	sadd.s32 s3, s2  }
0x8d: {  	s2 =	sadd.s32 s2, s17  }
0x8e: {  	[smem:$0x3FC5] =	sst s2  }
0x8f: {  	_ = 	snop  }
0x90: {  	s2 =	sld [smem:$0x3FC9]  }
0x91: {  	s18 =	sld [smem:$0x3FC7];
	(tm) =	ssettm $0x1  }
0x92: {  	s4 =	sld [smem:$0x3FFB];
	_ =	sdelay $0x3  }
0x93: {  	_ =	strace s4  }
0x94: {  	s4 =	sld [smem:$0x3FFC];
	_ =	sdelay $0x3  }
0x95: {  	_ =	strace s4  }
0x96: {  	s4 =	sld [smem:$0x3FFD];
	_ =	sdelay $0x3  }
0x97: {  	_ =	strace s4  }
0x98: {  	_ =	strace $0x8FFFFFFF  }
0x99: {  	s19 =	sld [smem:$0x3FDB];
	_ =	sdelay $0x1  }
0x9a: {  	s5 =	simm.s32 $_scs_section_size  }
0x9b: {  	s6 =	simm.s32 $_size__tile_overlayer_lowered;
	s7 =	simm.s32 $_tile_overlayer_lowered  }
0x9c: {  	s22 =	simm.s32 $0x1BFF;
	s21 =	sshll.u32 s7, $0x1;
	s4 =	sadd.s32 s5, s19  }
0x9d: {  	s8 =	simm.s32 $0x0;
	s20 =	sshll.u32 s6, $0x1;
	s6 =	sadd.s32 s21, s4  }
0x9e: {  	[timem:s8], [sflag:s22] =	dma.local [hbm:s6], s20  }
0x9f: {  	_ =	swait.ge [sflag:s22], s20  }
0xa0: {  	s5 =	ssub.s32 $0x0, s20;
	[sflag:s22] =	ssyncset.done $0x0  }
0xa1: {  	[sflag:s22] =	ssyncadd.s32 s5;
	_ =	sdelay $0x1  }
0xa2: {  	s23 =	simm.s32 $0x1B8B  }
0xa3: {  	_ =	swait.ge [sflag:s23], $0x1  }
0xa4: {  	[sflag:s23] =	ssyncset.done $0x0  }
0xa5: {  	s25 =	simm.s32 $0x1B8E;
	s24 =	sld [smem:$0x3FFE];
	[sflag:s23] =	ssyncadd.s32 $0xFFFFFFFF  }
0xa6: {  	s26 =	simm.s32 $execute0_lowered;
	[smem:$0x3FD2] =	sst s25  }
0xa7: {  	s6 =	sshll.u32 s26, $0x1;
	_ =	strace $0x80000046;
	[dreg:$0x1] =	wrdreg $0xFFFFFFFF  }
0xa8: {  	s28 =	simm.s32 $_size_execute0_lowered;
	s4 =	sadd.s32 s4, s6;
	[dreg:$0x0] =	wrdreg $0x0  }
0xa9: {  	s6 =	sshll.u32 s28, $0x1;
	[dreg:$0x2] =	wrdreg s4  }
0xaa: {  	[dreg:$0x3] =	wrdreg s6  }
0xab: {  	[dreg:$0x4] =	wrdreg $0xC0  }
0xac: {  	_ =	task [dreg:s8], $0x5FFFF  }
0xad: {  	[dreg:$0x1] =	wrdreg $0xFFFFFFFF  }
0xae: {  	[dreg:$0x0] =	wrdreg $0x60  }
0xaf: {  	[dreg:$0x2] =	wrdreg s2  }
0xb0: {  	[dreg:$0x3] =	wrdreg s24  }
0xb1: {  	[dreg:$0x4] =	wrdreg s18  }
0xb2: {  	[dreg:$0x5] =	wrdreg $0x9  }
0xb3: {  	_ =	task.clear_ibuf [dreg:s8], $0x6FFFF;
	_ =	strace $0x90000046  }
0xb4: {  	s29 =	simm.s32 $0x9;
	_ =	strace $0x80000048  }
0xb5: {  	_ =	swait.ge [sflag:s29], $0x1  }
0xb6: {  	[sflag:s29] =	ssyncadd.s32 $0xFFFFFFFF  }
0xb7: {  	_ =	strace $0x90000048  }
0xb8: {  	_ =	sfence  }
0xb9: {  	s30 =	sld [smem:$0x0];
	_ =	sdelay $0x2  }
0xba: {  	s31 =	sshll.u32 s1, $0xD;
	s1 =	sshrl.u32 s1, $0x2  }
0xbb: {  	s3 =	sand.u32 $0x4000, s31;
	s1 =	sadd.s32 s1, s30  }
0xbc: {  	s0 =	sor.u32 s3, s0;
	s1 =	sshll.u32 s1, $0x11  }
0xbd: {  	s0 =	sor.u32 s1, s0  }
0xbe: {  	s0 =	sadd.s32 $0x8F2B, s0  }
0xbf: {  	[sflag:s0] =	ssyncadd.remote.s32 $0x1  }
0xc0: {  	_ =	sfence.sel $0xFFFF  }
0xc1: {  	[dreg:$0x0] =	wrdreg $0xFFFFFFFF;
	(pc) =	sbr.abs _section_cstart, $3  }
0xc2: {  	[dreg:$0x1] =	wrdreg $0xFFFFFFFF  }
0xc3: {  	_ =	task.clear_ibuf [dreg:s8], $0x2FFFF;
	_ =	strace $0x9FFFFFFF  }
0xc4: {  	(tm) =	ssettm $0x7FFFFFFF  }
0xc5: {  	_ =	shalt  }
tec
execute0_lowered:
.L_overlay_start_1:
0x0: {  	(tag) =	ssettag $0x1  }
0x1: {  	s0 =	rddreg [dreg:$0x0]  }
0x2: {  	s11 =	rddreg [dreg:$0x1]  }
0x3: {  	s3 =	rddreg [dreg:$0x2]  }
0x4: {  	s1 =	srdreg.scid;
	s2 =	stileid.u32  }
0x5: {  	s4 =	simm.s32 $0x0;
	s17 =	simm.s32 $0x1C800;
	s18 =	simm.s32 $0x1D000  }
0x6: {  	s19 =	simm.s32 $0x1;
	s20 =	simm.s32 $0x2;
	s1 =	sand.u32 $0x1, s1  }
0x7: {  	s5 =	sshll.u32 s2, $0x1;
	[smem:$0x7FF] =	sst s4;
	s28 =	sadd.s32 $0x18680, s3  }
0x8: {  	s29 =	sshrl.u32 s2, $0x1;
	s12 =	sshll.u32 s2, $0xD;
	s13 =	sshll.u32 s2, $0x2  }
0x9: {  	s2 =	simm.s32 $0x0;
	s6 =	sor.u32 s1, s5;
	s26 =	ssub.s32 $0x2, s1  }
0xa: {  	_ =	strace $0x80000047;
	[dreg:$0x4] =	wrdreg s28;
	s12 =	sand.u32 $0x1C000, s12  }
0xb: {  	s1 =	sshll.u32 s1, $0x1;
	s7 =	sshll.u32 s6, $0x4;
	s8 =	sshrl.u32 s26, $0x1  }
0xc: {  	s6 =	sshll.u32 s6, $0x1;
	s12 =	sadd.s32 s12, s0;
	s9 =	sadd.s32 s7, s11  }
0xd: {  	s13 =	sor.u32 s1, s13;
	s10 =	ssub.s32 s26, s8;
	s30 =	sadd.s32 $0x800, s9  }
0xe: {  	s7 =	smul.u32 $0xC3800, s29;
	s31 =	smax.u32 s10, $0x1;
	[dreg:$0x5] =	wrdreg s30  }
0xf: {  	s8 =	sadd.s32 $0x200, s11;
	s11 =	sadd.s32 $0x100, s11;
	[dreg:$0x6] =	wrdreg s31  }
.LBB2_1:
0x10: {  	s0 =	rddreg [dreg:$0x4]  }
0x11: {  	s1 =	simm.s32 $0x400;
	s31 =	simm.s32 $0xC3800;
	s5 =	simm.s32 $0x1D800  }
0x12: {  	[tilespmem:s5], [sflag:$0x5] =	stream.strided.gather [hbm4b:s0+s1], $0x2000, s31, s1, $0x38;
	[tilespmem:$0x1F880] =	vst v63  }
0x13: {  	[dreg:$0x7] =	wrdreg s2;
	p1 =	por $0x1, $0x1;
	v0 =	vimm.f32 $0.0e+00;
	s0 =	simm.s32 $0x0  }
.LBB2_2:
0x14: {  	s1 =	sor.u32 s6, s0  }
0x15: {  	s24 =	sshll.u32 s1, $0x7  }
0x16: {  	p0 =	por p1, p1;
	s1 =	sand.u32 $0x380, s24  }
0x17: {  	s14 =	simm.s32 $0x0;
	s15 =	simm.s32 $0x0;
	s1 =	sor.u32 s1, s7  }
.LBB2_3:
0x18: {  	s16 =	smul.u32 $0x18800, s15  }
0x19: {  	p1 =	seq.s32 s15, $0x7  }
0x1a: {  	s16 =	simm.s32 @p1 $0xAAC00  }
0x1b: {  	s16 =	sadd.s32 s1, s16  }
0x1c: {  	s16 =	sshrl.u32 s16, $0x3  }
0x1d: {  	s25 =	simm.s32 $0x80;
	s16 =	sadd.s32 s3, s16  }
0x1e: {  	s26 =	sadd.s32 $0x400, s14;
	s28 =	smov.u32 s14;
	s29 =	sadd.s32 $0x0, s16  }
.LBB2_4:
0x1f: {  	[tilespmem:s28], [sflag:$0x1] =	stream.linear.gather [hbm4b:s29+s4], $0x80, $0x38;
	[tilespmem:$0x1F880] =	vst v63  }
0x20: {  	s29 =	smov.u32 s25;
	s28 =	smov.u32 s26;
	p1 =	sne.s32 s25, $0x3080  }
.Ltmp0:
0x21: {  	s25 =	sadd.s32 $0x80, s25;
	(pc) =	sbr.rel @p1 .LBB2_4-.Ltmp0, $2  }
0x22: {  	_ =	sdelay $0x2  }
0x23: {  	s26 =	sadd.s32 $0x400, s26;
	s29 =	sadd.s32 s29, s16  }
0x24: {  	s15 =	sadd.s32 $0x1, s15  }
0x25: {  	p1 =	seq.s32 s15, $0x8  }
.Ltmp1:
0x26: {  	_ = 	snop;
	(pc) =	sbr.rel @!p1 .LBB2_3-.Ltmp1, $3  }
0x27: {  	_ =	sdelay $0x1  }
0x28: {  	[tilespmem:s28], [sflag:$0x1] =	stream.linear.gather [hbm4b:s29+s4], $0x80, $0x38;
	[tilespmem:$0x1F880] =	vst v63  }
0x29: {  	s14 =	sadd.s32 $0x80, s14  }
0x2a: {  	s0 =	sadd.s32 s0, s13  }
0x2b: {  	s0 =	sand.u32 $0x7, s0  }
0x2c: {  	s0 =	sshll.u32 s0, $0x4  }
0x2d: {  	s14 =	simm.s32 $0x18800;
	s1 =	sadd.s32 s0, s12  }
0x2e: {  	[tilespmem:s14], [sflag:$0x2] =	stream.linear.gather [hbm4b:s1+s4], $0x80, $0x38;
	[tilespmem:$0x1F880] =	vst v63  }
0x2f: {  	s15 =	sadd.s32 $0x80, s1;
	s14 =	simm.s32 $0x18C00  }
0x30: {  	[tilespmem:s14], [sflag:$0x2] =	stream.linear.gather [hbm4b:s15+s4], $0x80, $0x38;
	[tilespmem:$0x1F880] =	vst v63  }
0x31: {  	s21 =	simm.s32 $0x19000;
	s16 =	sadd.s32 $0x100, s1  }
0x32: {  	[tilespmem:s21], [sflag:$0x2] =	stream.linear.gather [hbm4b:s16+s4], $0x80, $0x38;
	[tilespmem:$0x1F880] =	vst v63  }
0x33: {  	s23 =	simm.s32 $0x19400;
	s22 =	sadd.s32 $0x180, s1  }
0x34: {  	[tilespmem:s23], [sflag:$0x2] =	stream.linear.gather [hbm4b:s22+s4], $0x80, $0x38;
	[tilespmem:$0x1F880] =	vst v63  }
0x35: {  	s26 =	simm.s32 $0x19800;
	s25 =	sadd.s32 $0x200, s1  }
0x36: {  	[tilespmem:s26], [sflag:$0x2] =	stream.linear.gather [hbm4b:s25+s4], $0x80, $0x38;
	[tilespmem:$0x1F880] =	vst v63  }
0x37: {  	s29 =	simm.s32 $0x19C00;
	s28 =	sadd.s32 $0x280, s1  }
0x38: {  	[tilespmem:s29], [sflag:$0x2] =	stream.linear.gather [hbm4b:s28+s4], $0x80, $0x38;
	[tilespmem:$0x1F880] =	vst v63  }
0x39: {  	s31 =	simm.s32 $0x1A000;
	s30 =	sadd.s32 $0x300, s1  }
0x3a: {  	[tilespmem:s31], [sflag:$0x2] =	stream.linear.gather [hbm4b:s30+s4], $0x80, $0x38;
	[tilespmem:$0x1F880] =	vst v63  }
0x3b: {  	s5 =	simm.s32 $0x1A400;
	s2 =	sadd.s32 $0x380, s1  }
0x3c: {  	[tilespmem:s5], [sflag:$0x2] =	stream.linear.gather [hbm4b:s2+s4], $0x80, $0x38;
	[tilespmem:$0x1F880] =	vst v63  }
0x3d: {  	s10 =	simm.s32 $0x1A800;
	s9 =	sadd.s32 $0x400, s1  }
0x3e: {  	[tilespmem:s10], [sflag:$0x2] =	stream.linear.gather [hbm4b:s9+s4], $0x80, $0x38;
	[tilespmem:$0x1F880] =	vst v63  }
0x3f: {  	s14 =	sadd.s32 $0x480, s1;
	s15 =	simm.s32 $0x1AC00  }
0x40: {  	[tilespmem:s15], [sflag:$0x2] =	stream.linear.gather [hbm4b:s14+s4], $0x80, $0x38;
	[tilespmem:$0x1F880] =	vst v63  }
0x41: {  	s0 =	simm.s32 $0x80;
	s16 =	sadd.s32 $0x500, s1;
	s21 =	simm.s32 $0x1B000  }
0x42: {  	[tilespmem:s21], [sflag:$0x2] =	stream.linear.gather [hbm4b:s16+s4], $0x80, $0x38;
	[tilespmem:$0x1F880] =	vst v63  }
0x43: {  	s22 =	sadd.s32 $0x580, s1;
	s23 =	simm.s32 $0x1B400;
	s25 =	sadd.s32 $0x600, s1  }
0x44: {  	[tilespmem:s23], [sflag:$0x2] =	stream.linear.gather [hbm4b:s22+s4], $0x80, $0x38;
	[tilespmem:$0x1F880] =	vst v63  }
0x45: {  	s26 =	simm.s32 $0x1B800;
	s28 =	sadd.s32 $0x680, s1;
	s29 =	simm.s32 $0x1BC00  }
0x46: {  	[tilespmem:s26], [sflag:$0x2] =	stream.linear.gather [hbm4b:s25+s4], $0x80, $0x38;
	[tilespmem:$0x1F880] =	vst v63  }
0x47: {  	s30 =	sadd.s32 $0x700, s1;
	s31 =	simm.s32 $0x1C000;
	s15 =	simm.s32 $0x400  }
0x48: {  	[tilespmem:s29], [sflag:$0x2] =	stream.linear.gather [hbm4b:s28+s4], $0x80, $0x38;
	[tilespmem:$0x1F880] =	vst v63  }
0x49: {  	s16 =	sadd.s32 $0x780, s1;
	s26 =	simm.s32 $0x1C400;
	s25 =	sadd.s32 $0x800, s1  }
0x4a: {  	[tilespmem:s31], [sflag:$0x2] =	stream.linear.gather [hbm4b:s30+s4], $0x80, $0x38;
	[tilespmem:$0x1F880] =	vst v63  }
.LBB2_7:
0x4b: {  	[tilespmem:s26], [sflag:$0x2] =	stream.linear.gather [hbm4b:s16+s4], $0x80, $0x38;
	[tilespmem:$0x1F880] =	vst v63  }
0x4c: {  	s1 =	smov.u32 s0;
	s0 =	smov.u32 s15  }
0x4d: {  	s14 =	sadd.s32 $0x200, s15;
	s0 =	sshra.s32 s0, $0x2;
	s16 =	sadd.s32 $0x18800, s1  }
0x4e: {  	[tilespmem:s16], [sflag:$0x2] =	stream.linear.gather [hbm4b:s25+s4], $0x80, $0x38;
	[tilespmem:$0x1F880] =	vst v63  }
0x4f: {  	p1 =	sne.s32 s15, $0xE00;
	s15 =	sadd.s32 $0x80, s25;
	s16 =	sadd.s32 $0x18C00, s1  }
0x50: {  	[tilespmem:s16], [sflag:$0x2] =	stream.linear.gather [hbm4b:s15+s4], $0x80, $0x38;
	[tilespmem:$0x1F880] =	vst v63  }
0x51: {  	s15 =	sadd.s32 $0x100, s25;
	s16 =	sadd.s32 $0x19000, s1  }
0x52: {  	[tilespmem:s16], [sflag:$0x2] =	stream.linear.gather [hbm4b:s15+s4], $0x80, $0x38;
	[tilespmem:$0x1F880] =	vst v63  }
0x53: {  	s15 =	sadd.s32 $0x180, s25;
	s16 =	sadd.s32 $0x19400, s1  }
0x54: {  	[tilespmem:s16], [sflag:$0x2] =	stream.linear.gather [hbm4b:s15+s4], $0x80, $0x38;
	[tilespmem:$0x1F880] =	vst v63  }
0x55: {  	s15 =	sadd.s32 $0x200, s25;
	s16 =	sadd.s32 $0x19800, s1  }
0x56: {  	[tilespmem:s16], [sflag:$0x2] =	stream.linear.gather [hbm4b:s15+s4], $0x80, $0x38;
	[tilespmem:$0x1F880] =	vst v63  }
0x57: {  	s15 =	sadd.s32 $0x280, s25;
	s16 =	sadd.s32 $0x19C00, s1  }
0x58: {  	[tilespmem:s16], [sflag:$0x2] =	stream.linear.gather [hbm4b:s15+s4], $0x80, $0x38;
	[tilespmem:$0x1F880] =	vst v63  }
0x59: {  	s15 =	sadd.s32 $0x300, s25;
	s16 =	sadd.s32 $0x1A000, s1  }
0x5a: {  	[tilespmem:s16], [sflag:$0x2] =	stream.linear.gather [hbm4b:s15+s4], $0x80, $0x38;
	[tilespmem:$0x1F880] =	vst v63  }
0x5b: {  	s15 =	sadd.s32 $0x380, s25;
	s16 =	sadd.s32 $0x1A400, s1  }
0x5c: {  	[tilespmem:s16], [sflag:$0x2] =	stream.linear.gather [hbm4b:s15+s4], $0x80, $0x38;
	[tilespmem:$0x1F880] =	vst v63  }
0x5d: {  	s15 =	sadd.s32 $0x400, s25;
	s16 =	sadd.s32 $0x1A800, s1  }
0x5e: {  	[tilespmem:s16], [sflag:$0x2] =	stream.linear.gather [hbm4b:s15+s4], $0x80, $0x38;
	[tilespmem:$0x1F880] =	vst v63  }
0x5f: {  	s15 =	sadd.s32 $0x480, s25;
	s16 =	sadd.s32 $0x1AC00, s1  }
0x60: {  	[tilespmem:s16], [sflag:$0x2] =	stream.linear.gather [hbm4b:s15+s4], $0x80, $0x38;
	[tilespmem:$0x1F880] =	vst v63  }
0x61: {  	s15 =	sadd.s32 $0x500, s25;
	s16 =	sadd.s32 $0x1B000, s1  }
0x62: {  	[tilespmem:s16], [sflag:$0x2] =	stream.linear.gather [hbm4b:s15+s4], $0x80, $0x38;
	[tilespmem:$0x1F880] =	vst v63  }
0x63: {  	s15 =	sadd.s32 $0x580, s25;
	s16 =	sadd.s32 $0x1B400, s1  }
0x64: {  	[tilespmem:s16], [sflag:$0x2] =	stream.linear.gather [hbm4b:s15+s4], $0x80, $0x38;
	[tilespmem:$0x1F880] =	vst v63  }
0x65: {  	s15 =	sadd.s32 $0x600, s25;
	s16 =	sadd.s32 $0x1B800, s1  }
0x66: {  	[tilespmem:s16], [sflag:$0x2] =	stream.linear.gather [hbm4b:s15+s4], $0x80, $0x38;
	[tilespmem:$0x1F880] =	vst v63  }
.Ltmp2:
0x67: {  	s15 =	sadd.s32 $0x680, s25;
	s16 =	sadd.s32 $0x1BC00, s1;
	(pc) =	sbr.rel @p1 .LBB2_7-.Ltmp2, $4  }
0x68: {  	[tilespmem:s16], [sflag:$0x2] =	stream.linear.gather [hbm4b:s15+s4], $0x80, $0x38;
	[tilespmem:$0x1F880] =	vst v63  }
0x69: {  	s26 =	sadd.s32 $0x1C400, s1;
	s15 =	sadd.s32 $0x700, s25;
	s16 =	sadd.s32 $0x1C000, s1  }
0x6a: {  	[tilespmem:s16], [sflag:$0x2] =	stream.linear.gather [hbm4b:s15+s4], $0x80, $0x38;
	[tilespmem:$0x1F880] =	vst v63  }
0x6b: {  	s16 =	sadd.s32 $0x780, s25;
	s25 =	sadd.s32 $0x800, s25;
	s15 =	smov.u32 s14  }
0x6c: {  	[tilespmem:s26], [sflag:$0x2] =	stream.linear.gather [hbm4b:s16+s4], $0x80, $0x38;
	[tilespmem:$0x1F880] =	vst v63  }
0x6d: {  	s1 =	sadd.s32 $0x18800, s0  }
0x6e: {  	[tilespmem:s1], [sflag:$0x2] =	stream.linear.gather [hbm4b:s25+s4], $0x80, $0x38;
	[tilespmem:$0x1F880] =	vst v63  }
0x6f: {  	s29 =	sadd.s32 $0x80, s25;
	s14 =	sadd.s32 $0x18C00, s0  }
0x70: {  	[tilespmem:s14], [sflag:$0x2] =	stream.linear.gather [hbm4b:s29+s4], $0x80, $0x38;
	[tilespmem:$0x1F880] =	vst v63  }
0x71: {  	s30 =	sadd.s32 $0x100, s25;
	s31 =	sadd.s32 $0x19000, s0  }
0x72: {  	[tilespmem:s31], [sflag:$0x2] =	stream.linear.gather [hbm4b:s30+s4], $0x80, $0x38;
	[tilespmem:$0x1F880] =	vst v63  }
0x73: {  	s2 =	sadd.s32 $0x180, s25;
	s5 =	sadd.s32 $0x19400, s0  }
0x74: {  	[tilespmem:s5], [sflag:$0x2] =	stream.linear.gather [hbm4b:s2+s4], $0x80, $0x38;
	[tilespmem:$0x1F880] =	vst v63  }
0x75: {  	s9 =	sadd.s32 $0x200, s25;
	s10 =	sadd.s32 $0x19800, s0  }
0x76: {  	[tilespmem:s10], [sflag:$0x2] =	stream.linear.gather [hbm4b:s9+s4], $0x80, $0x38;
	[tilespmem:$0x1F880] =	vst v63  }
0x77: {  	s15 =	sadd.s32 $0x280, s25;
	s16 =	sadd.s32 $0x19C00, s0  }
0x78: {  	[tilespmem:s16], [sflag:$0x2] =	stream.linear.gather [hbm4b:s15+s4], $0x80, $0x38;
	[tilespmem:$0x1F880] =	vst v63  }
0x79: {  	s21 =	sadd.s32 $0x300, s25;
	s22 =	sadd.s32 $0x1A000, s0  }
0x7a: {  	[tilespmem:s22], [sflag:$0x2] =	stream.linear.gather [hbm4b:s21+s4], $0x80, $0x38;
	[tilespmem:$0x1F880] =	vst v63  }
0x7b: {  	s23 =	sadd.s32 $0x380, s25;
	s26 =	sadd.s32 $0x1A400, s0  }
0x7c: {  	[tilespmem:s26], [sflag:$0x2] =	stream.linear.gather [hbm4b:s23+s4], $0x80, $0x38;
	[tilespmem:$0x1F880] =	vst v63  }
0x7d: {  	s28 =	sadd.s32 $0x400, s25;
	s29 =	sadd.s32 $0x1A800, s0  }
0x7e: {  	[tilespmem:s29], [sflag:$0x2] =	stream.linear.gather [hbm4b:s28+s4], $0x80, $0x38;
	[tilespmem:$0x1F880] =	vst v63  }
0x7f: {  	s30 =	sadd.s32 $0x480, s25;
	s31 =	sadd.s32 $0x1AC00, s0  }
0x80: {  	[tilespmem:s31], [sflag:$0x2] =	stream.linear.gather [hbm4b:s30+s4], $0x80, $0x38;
	[tilespmem:$0x1F880] =	vst v63  }
0x81: {  	s2 =	sadd.s32 $0x500, s25;
	s5 =	sadd.s32 $0x1B000, s0  }
0x82: {  	[tilespmem:s5], [sflag:$0x2] =	stream.linear.gather [hbm4b:s2+s4], $0x80, $0x38;
	[tilespmem:$0x1F880] =	vst v63  }
0x83: {  	s9 =	sadd.s32 $0x580, s25;
	s10 =	sadd.s32 $0x1B400, s0  }
0x84: {  	[tilespmem:s10], [sflag:$0x2] =	stream.linear.gather [hbm4b:s9+s4], $0x80, $0x38;
	[tilespmem:$0x1F880] =	vst v63  }
0x85: {  	s15 =	sadd.s32 $0x600, s25;
	s16 =	sadd.s32 $0x1B800, s0  }
0x86: {  	[tilespmem:s16], [sflag:$0x2] =	stream.linear.gather [hbm4b:s15+s4], $0x80, $0x38;
	[tilespmem:$0x1F880] =	vst v63  }
0x87: {  	s21 =	sadd.s32 $0x680, s25;
	s22 =	sadd.s32 $0x1BC00, s0  }
0x88: {  	[tilespmem:s22], [sflag:$0x2] =	stream.linear.gather [hbm4b:s21+s4], $0x80, $0x38;
	[tilespmem:$0x1F880] =	vst v63  }
0x89: {  	s23 =	sadd.s32 $0x700, s25;
	s26 =	sadd.s32 $0x1C000, s0  }
0x8a: {  	[tilespmem:s26], [sflag:$0x2] =	stream.linear.gather [hbm4b:s23+s4], $0x80, $0x38;
	[tilespmem:$0x1F880] =	vst v63  }
0x8b: {  	s28 =	sadd.s32 $0x780, s25;
	s29 =	sadd.s32 $0x1C400, s0  }
0x8c: {  	[tilespmem:s29], [sflag:$0x2] =	stream.linear.gather [hbm4b:s28+s4], $0x80, $0x38;
	[tilespmem:$0x1F880] =	vst v63  }
0x8d: {  	s30 =	rddreg [dreg:$0x1]  }
0x8e: {  	[tilespmem:s17], [sflag:$0x3] =	stream.linear.gather [hbm4b:s30+s4], $0x800, $0x38;
	[tilespmem:$0x1F880] =	vst v63  }
0x8f: {  	_ = 	snop  }
0x90: {  	[tilespmem:s18], [sflag:$0x4] =	stream.linear.gather [hbm4b:s11+s4], $0x800, $0x38;
	[tilespmem:$0x1F880] =	vst v63  }
0x91: {  	_ =	swait.ge [sflag:s19], $0x18800  }
0x92: {  	[sflag:s19] =	ssyncset.done $0x0  }
0x93: {  	[sflag:s19] =	ssyncadd.s32 $0xFFFE7800  }
0x94: {  	_ =	swait.ge [sflag:s20], $0x4000  }
0x95: {  	[sflag:s20] =	ssyncset.done $0x0  }
0x96: {  	s0 =	simm.s32 @p0 $0x5;
	[sflag:s20] =	ssyncadd.s32 $0xFFFFC000  }
0x97: {  	_ =	swait.ge @p0 [sflag:s0], $0x2000  }
0x98: {  	[sflag:s0] =	ssyncset.done @p0 $0x0  }
0x99: {  	s31 =	sand.u32 $0x3FFFFF80, s24;
	[sflag:s0] =	ssyncadd.s32 @p0 $0xFFFFE000  }
0x9a: {  	v1 =	vld [tilespmem:s31+$0x1D800];
	_ =	sdelay $0x4  }
0x9b: {  	[tilespmem:$0x380] =	vst v1  }
0x9c: {  	v1 =	vld [tilespmem:s31+$0x1D810];
	_ =	sdelay $0x4  }
0x9d: {  	s25 =	simm.s32 $0x0;
	s24 =	simm.s32 $0x0;
	[tilespmem:$0x390] =	vst v1  }
.LBB2_9:
0x9e: {  	s0 =	sand.u32 $0x1, s25  }
0x9f: {  	s15 =	sand.u32 $0x780, s24;
	s26 =	sadd.s32 $0x3, s0;
	s0 =	sshll.u32 s0, $0xB  }
0xa0: {  	s16 =	sand.u32 $0x40, s24;
	_ =	swait.ge [sflag:s26], $0x800;
	s28 =	sadd.s32 $0x1C800, s0  }
0xa1: {  	s14 =	sor.u32 $0x20, s16;
	[sflag:s26] =	ssyncset.done $0x0;
	s0 =	sadd.s32 s15, s28  }
0xa2: {  	s15 =	sor.u32 $0x10, s16;
	[sflag:s26] =	ssyncadd.s32 $0xFFFFF800;
	s29 =	sadd.s32 s14, s0  }
0xa3: {  	s30 =	sadd.s32 s15, s0;
	v2 =	vld [tilespmem:s29+$0x0]  }
0xa4: {  	s1 =	sor.u32 $0x30, s16;
	v3 =	vld [tilespmem:s30+$0x0]  }
0xa5: {  	s29 =	sadd.s32 s1, s0  }
0xa6: {  	s0 =	sadd.s32 s16, s0;
	v4 =	vld [tilespmem:s29+$0x0]  }
0xa7: {  	s21 =	sshll.u32 s25, $0x7;
	v5 =	vld [tilespmem:s0+$0x0]  }
0xa8: {  	v1 =	vmov s21  }
0xa9: {  	v6 =	vand.u32 $0x7F, v2;
	v7 =	vand.u32 $0x7F, v3;
	v10 =	vshll.u32 v2, $0x3  }
0xaa: {  	v11 =	vshrl.u32 v2, $0x7;
	v14 =	vshrl.u32 v3, $0x7;
	v15 =	vshrl.u32 v2, $0x11  }
0xab: {  	v17 =	vshrl.u32 v3, $0x11;
	v3 =	vshll.u32 v3, $0x3;
	v8 =	vshll.u32 v4, $0x3  }
0xac: {  	v9 =	vshrl.u32 v4, $0x7;
	v13 =	vand.u32 $0x7F, v5;
	v2 =	vshrl.u32 v5, $0x11  }
0xad: {  	s22 =	simm.s32 $0x40;
	v16 =	vshrl.u32 v5, $0x7;
	v5 =	vshll.u32 v5, $0x3;
	v2 =	vmul.u32 $0x18800, v2  }
0xae: {  	s31 =	sand.u32 $0x40, s22;
	s29 =	sand.u32 $0x780, s22;
	v12 =	vshrl.u32 v4, $0x11;
	v10 =	vand.u32 $0x1FC00, v10;
	v5 =	vand.u32 $0x1FC00, v5  }
0xaf: {  	s30 =	sor.u32 $0x20, s31;
	s21 =	sadd.s32 s29, s28;
	v2 =	vadd.s32 v5, v2;
	v5 =	vand.u32 $0x380, v16;
	v16 =	vmul.u32 $0x18800, v17  }
0xb0: {  	s29 =	sor.u32 $0x30, s31;
	s9 =	sadd.s32 s30, s21;
	v3 =	vand.u32 $0x1FC00, v3;
	v14 =	vand.u32 $0x380, v14;
	v5 =	vor.u32 v5, v2  }
0xb1: {  	s0 =	sor.u32 $0x10, s31;
	s5 =	sadd.s32 s29, s21;
	v15 =	vmul.u32 $0x18800, v15;
	v5 =	vor.u32 v13, v5;
	v3 =	vadd.s32 v3, v16;
	v13 =	vld [tilespmem:s9+$0x0]  }
0xb2: {  	s2 =	sand.u32 $0x3C00, s24;
	s23 =	sadd.s32 s0, s21;
	v11 =	vand.u32 $0x380, v11;
	v12 =	vmul.u32 $0x18800, v12;
	v2 =	vld [tilespmem:s5+$0x0];
	v3 =	vor.u32 v14, v3  }
0xb3: {  	s10 =	sadd.s32 $0x18800, s2;
	s21 =	sadd.s32 s31, s21;
	v14 =	vld [tilespmem:s23+$0x0];
	v7 =	vor.u32 v7, v3;
	v3 =	vand.u32 $0x1FC00, v8;
	v8 =	vadd.s32 v10, v15  }
0xb4: {  	s16 =	sor.u32 s16, s10;
	v9 =	vand.u32 $0x380, v9;
	v15 =	vld [tilespmem:s21+$0x0];
	v3 =	vadd.s32 v3, v12;
	v8 =	vor.u32 v11, v8  }
0xb5: {  	v4 =	vand.u32 $0x7F, v4;
	v12 =	vld.idx.msk [tilespmem:v1+s16+$0x0 ss:$0x1], $0xffff;
	v9 =	vor.u32 v9, v3;
	v11 =	vor.u32 v6, v8  }
0xb6: {  	s22 =	sor.u32 s15, s10;
	v18 =	vld.idx.msk [tilespmem:v5+s4+$0x0], $0xffff;
	v3 =	vand.u32 $0x7F, v13;
	v21 =	vor.u32 v4, v9  }
0xb7: {  	v19 =	vld.idx.msk [tilespmem:v1+s22+$0x0 ss:$0x1], $0xffff;
	v5 =	vshll.u32 v2, $0x3;
	v4 =	vshrl.u32 v2, $0x7;
	v20 =	vshll.u32 v13, $0x3  }
0xb8: {  	s23 =	sor.u32 s14, s10;
	v23 =	vshrl.u32 v13, $0x7;
	v8 =	vshrl.u32 v13, $0x11;
	v6 =	vand.u32 $0x7F, v14;
	v22 =	vld.idx.msk [tilespmem:v7+s4+$0x0], $0xffff  }
0xb9: {  	v10 =	vld.idx.msk [tilespmem:v1+s23+$0x0 ss:$0x1], $0xffff;
	v24 =	vshrl.u32 v14, $0x7;
	v17 =	vshrl.u32 v14, $0x11;
	v16 =	vshll.u32 v14, $0x3  }
0xba: {  	s1 =	sor.u32 s1, s10;
	v7 =	vshrl.u32 v2, $0x11;
	v9 =	vand.u32 $0x7F, v15;
	v25 =	vshrl.u32 v15, $0x7;
	v13 =	vld.idx.msk [tilespmem:v11+s4+$0x0], $0xffff  }
0xbb: {  	v14 =	vshrl.u32 v15, $0x11;
	v15 =	vshll.u32 v15, $0x3;
	v11 =	vld.idx.msk [tilespmem:v1+s1+$0x0 ss:$0x1], $0xffff;
	v18 =	vsub.f32 v12, v18  }
0xbc: {  	v26 =	vmul.u32 $0x18800, v14;
	v12 =	vand.u32 $0x380, v23;
	v23 =	vand.u32 $0x1FC00, v15;
	v15 =	vld.idx.msk [tilespmem:v21+s4+$0x0], $0xffff  }
0xbd: {  	v14 =	vand.u32 $0x1FC00, v20;
	v20 =	vmul.f32 v18, v18;
	v19 =	vsub.f32 v19, v22  }
0xbe: {  	s15 =	simm.s32 $0x80;
	s14 =	simm.s32 $0x0;
	s1 =	simm.s32 $0x4;
	v21 =	vadd.s32 v23, v26;
	v22 =	vand.u32 $0x380, v25;
	v18 =	vand.u32 $0x380, v24  }
.LBB2_10:
0xbf: {  	s5 =	sand.u32 $0x780, s15;
	s9 =	sand.u32 $0x40, s15;
	v0 =	vadd.f32 v20, v0;
	v19 =	vmul.f32 v19, v19;
	v10 =	vsub.f32 v10, v13  }
0xc0: {  	v13 =	vor.u32 v22, v21;
	v17 =	vmul.u32 $0x18800, v17;
	v16 =	vand.u32 $0x1FC00, v16;
	s5 =	sadd.s32 s5, s28;
	s16 =	sor.u32 $0x30, s9  }
0xc1: {  	s14 =	sadd.s32 $0x200, s14;
	s21 =	sor.u32 $0x20, s9;
	v11 =	vsub.f32 v11, v15;
	s10 =	sadd.s32 s16, s5;
	v0 =	vadd.f32 v19, v0;
	v10 =	vmul.f32 v10, v10  }
0xc2: {  	v8 =	vmul.u32 $0x18800, v8;
	s22 =	sor.u32 $0x10, s9;
	v9 =	vor.u32 v9, v13;
	s23 =	sadd.s32 s21, s5;
	v13 =	vadd.s32 v16, v17;
	v15 =	vld [tilespmem:s10+$0x0];
	s10 =	sand.u32 $0x3C00, s14  }
0xc3: {  	s2 =	sadd.s32 s22, s5;
	v13 =	vor.u32 v18, v13;
	v16 =	vld [tilespmem:s23+$0x0];
	s10 =	sadd.s32 $0x18800, s10;
	v0 =	vadd.f32 v10, v0;
	v10 =	vmul.f32 v11, v11  }
0xc4: {  	v7 =	vmul.u32 $0x18800, v7;
	v13 =	vor.u32 v6, v13;
	v6 =	vadd.s32 v14, v8;
	v11 =	vld [tilespmem:s2+$0x0];
	s2 =	sor.u32 s31, s10;
	s31 =	smov.u32 s9  }
0xc5: {  	v5 =	vand.u32 $0x1FC00, v5;
	v6 =	vor.u32 v12, v6;
	s5 =	sadd.s32 s31, s5;
	v14 =	vld.idx.msk [tilespmem:v1+s2+$0x0 ss:$0x1], $0xffff;
	v0 =	vadd.f32 v10, v0  }
0xc6: {  	v4 =	vand.u32 $0x380, v4;
	v17 =	vor.u32 v3, v6;
	v3 =	vadd.s32 v5, v7;
	v12 =	vld [tilespmem:s5+$0x0]  }
0xc7: {  	s1 =	sadd.s32 $0x4, s1;
	s2 =	sor.u32 s0, s10;
	v5 =	vand.u32 $0x7F, v2;
	s0 =	smov.u32 s22;
	v4 =	vor.u32 v4, v3;
	v18 =	vld.idx.msk [tilespmem:v9+s4+$0x0], $0xffff;
	v2 =	vmov v15  }
0xc8: {  	p1 =	slt.u32 s1, $0x7C;
	v15 =	vor.u32 v5, v4;
	v3 =	vand.u32 $0x7F, v16;
	v19 =	vld.idx.msk [tilespmem:v1+s2+$0x0 ss:$0x1], $0xffff  }
0xc9: {  	v5 =	vshll.u32 v2, $0x3;
	v4 =	vshrl.u32 v2, $0x7;
	s2 =	sor.u32 s30, s10;
	s30 =	smov.u32 s21;
	v6 =	vand.u32 $0x7F, v11;
	v21 =	vld.idx.msk [tilespmem:v13+s4+$0x0], $0xffff  }
0xca: {  	v20 =	vshll.u32 v16, $0x3;
	v22 =	vshrl.u32 v16, $0x7;
	v7 =	vshrl.u32 v2, $0x11;
	v10 =	vld.idx.msk [tilespmem:v1+s2+$0x0 ss:$0x1], $0xffff  }
0xcb: {  	v8 =	vshrl.u32 v16, $0x11;
	v23 =	vshrl.u32 v11, $0x7;
	s2 =	sor.u32 s29, s10;
	s29 =	smov.u32 s16;
	v9 =	vand.u32 $0x7F, v12;
	v13 =	vld.idx.msk [tilespmem:v17+s4+$0x0], $0xffff  }
.Ltmp3:
0xcc: {  	v16 =	vshll.u32 v11, $0x3;
	v24 =	vshrl.u32 v12, $0x7;
	v17 =	vshrl.u32 v11, $0x11;
	v11 =	vld.idx.msk [tilespmem:v1+s2+$0x0 ss:$0x1], $0xffff;
	(pc) =	sbr.rel @p1 .LBB2_10-.Ltmp3, $4  }
0xcd: {  	v25 =	vshrl.u32 v12, $0x11;
	v26 =	vshll.u32 v12, $0x3;
	v18 =	vsub.f32 v14, v18;
	v15 =	vld.idx.msk [tilespmem:v15+s4+$0x0], $0xffff  }
0xce: {  	v12 =	vand.u32 $0x380, v22;
	v25 =	vmul.u32 $0x18800, v25;
	v14 =	vand.u32 $0x1FC00, v20  }
0xcf: {  	v22 =	vand.u32 $0x1FC00, v26;
	v20 =	vmul.f32 v18, v18;
	v19 =	vsub.f32 v19, v21  }
0xd0: {  	s15 =	sadd.s32 $0x40, s15;
	v21 =	vadd.s32 v22, v25;
	v22 =	vand.u32 $0x380, v24;
	v18 =	vand.u32 $0x380, v23  }
0xd1: {  	v17 =	vmul.u32 $0x18800, v17  }
0xd2: {  	v21 =	vor.u32 v22, v21;
	v16 =	vand.u32 $0x1FC00, v16  }
0xd3: {  	s1 =	sadd.s32 $0x200, s14;
	v8 =	vmul.u32 $0x18800, v8;
	v9 =	vor.u32 v9, v21;
	v16 =	vadd.s32 v16, v17  }
0xd4: {  	s1 =	sand.u32 $0x3C00, s1;
	v16 =	vor.u32 v18, v16  }
0xd5: {  	v7 =	vmul.u32 $0x18800, v7;
	s1 =	sadd.s32 $0x18800, s1;
	v8 =	vadd.s32 v14, v8;
	v6 =	vor.u32 v6, v16  }
0xd6: {  	v5 =	vand.u32 $0x1FC00, v5;
	s2 =	sor.u32 s31, s1;
	v8 =	vor.u32 v12, v8  }
0xd7: {  	v4 =	vand.u32 $0x380, v4;
	v5 =	vadd.s32 v5, v7;
	v52 =	vld.idx.msk [tilespmem:v1+s2+$0x0 ss:$0x1], $0xffff;
	v3 =	vor.u32 v3, v8  }
0xd8: {  	v0 =	vadd.f32 v20, v0;
	v2 =	vand.u32 $0x7F, v2;
	s0 =	sor.u32 s0, s1;
	v4 =	vor.u32 v4, v5;
	v53 =	vld.idx.msk [tilespmem:v9+s4+$0x0], $0xffff  }
0xd9: {  	v54 =	vmul.f32 v19, v19;
	v55 =	vsub.f32 v10, v13;
	v56 =	vld.idx.msk [tilespmem:v1+s0+$0x0 ss:$0x1], $0xffff;
	v2 =	vor.u32 v2, v4  }
0xda: {  	s30 =	sor.u32 s30, s1;
	v57 =	vld.idx.msk [tilespmem:v6+s4+$0x0], $0xffff  }
0xdb: {  	v59 =	vsub.f32 v11, v15;
	v0 =	vadd.f32 v54, v0;
	v58 =	vmul.f32 v55, v55;
	v60 =	vld.idx.msk [tilespmem:v1+s30+$0x0 ss:$0x1], $0xffff  }
0xdc: {  	s31 =	sor.u32 s29, s1;
	v3 =	vld.idx.msk [tilespmem:v3+s4+$0x0], $0xffff  }
0xdd: {  	v61 =	vmul.f32 v59, v59;
	v0 =	vadd.f32 v58, v0;
	v1 =	vld.idx.msk [tilespmem:v1+s31+$0x0 ss:$0x1], $0xffff;
	v62 =	vsub.f32 v52, v53  }
0xde: {  	v2 =	vld.idx.msk [tilespmem:v2+s4+$0x0], $0xffff  }
0xdf: {  	p1 =	sgt.u32 s25, $0x5;
	v0 =	vadd.f32 v61, v0;
	v63 =	vmul.f32 v62, v62;
	v4 =	vsub.f32 v56, v57  }
0xe0: {  	s0 =	sshll.u32 @!p1 s25, $0x8  }
0xe1: {  	s1 =	simm.s32 @!p1 $0x0;
	s25 =	sadd.s32 $0x1, s25;
	s0 =	sadd.s32 @!p1 s0, s8;
	v3 =	vsub.f32 v60, v3;
	v0 =	vadd.f32 v63, v0;
	v4 =	vmul.f32 v4, v4  }
0xe2: {  	[tilespmem:s28], [sflag:s26] =	stream.linear.gather @!p1 [hbm4b:s0+s1], $0x800, $0x38;
	[tilespmem:$0x1F880] =	vst v63  }
0xe3: {  	p1 =	sne.s32 s25, $0x8;
	v1 =	vsub.f32 v1, v2;
	v3 =	vmul.f32 v3, v3;
	v0 =	vadd.f32 v4, v0  }
.Ltmp4:
0xe4: {  	_ = 	snop;
	(pc) =	sbr.rel @p1 .LBB2_9-.Ltmp4, $2  }
0xe5: {  	v1 =	vmul.f32 v1, v1;
	v0 =	vadd.f32 v3, v0;
	_ =	sdelay $0x1  }
0xe6: {  	v0 =	vadd.f32 v1, v0;
	_ =	sdelay $0x1  }
.Ltmp5:
0xe7: {  	(pc) =	sbr.rel @p0 .LBB2_2-.Ltmp5, $2  }
0xe8: {  	_ =	sdelay $0x2  }
0xe9: {  	s0 =	simm.s32 $0x1;
	p1 =	por $0x0, $0x0  }
0xea: {  	v0 =	vmul.f32 $3.051757810e-05, v0;
	_ =	sdelay $0x1  }
0xeb: {  	s0 =	rddreg [dreg:$0x5];
	s1 =	simm.s32 $0x1F800;
	s30 =	simm.s32 $0x6;
	[tilespmem:$0x1F800] =	vst v0  }
0xec: {  	[hbm4b:s0+s4] =	stream.linear.scatter [tilespmem:s1], [sflag:$0x6], $0x80, $0x38;
	[tilespmem:$0x1F880] =	vst v63  }
0xed: {  	_ =	swait.ge [sflag:s30], $0x80  }
0xee: {  	s2 =	rddreg [dreg:$0x7]  }
0xef: {  	s31 =	rddreg [dreg:$0x6];
	s2 =	sadd.s32 $0x1, s2  }
0xf0: {  	p0 =	sne.s32 s2, s31  }
.Ltmp6:
0xf1: {  	_ = 	snop;
	(pc) =	sbr.rel @p0 .LBB2_1-.Ltmp6, $3  }
0xf2: {  	_ =	sdelay $0x1  }
0xf3: {  	[sflag:s30] =	ssyncset.done $0x0  }
0xf4: {  	[sflag:s30] =	ssyncadd.s32 $0xFFFFFF80  }
0xf5: {  	_ =	sfence.sel $0x180000  }
0xf6: {  	[bflag:$0x0] =	sbarrier.arrive $0xFFFF  }
0xf7: {  	_ =	strace $0x90000047  }
0xf8: {  	s0 =	stileid.u32;
	[bflag:$0x2] =	sbarrier.arrive $0xFFFF  }
0xf9: {  	p0 =	sne.s32 s0, $0x0;
	s0 =	rddreg [dreg:$0x3]  }
0xfa: {  	s0 =	sadd.s32 @!p0 $0x100000, s0  }
0xfb: {  	[sflag:s0] =	ssyncadd.tile.s32 @!p0 $0x1;
	_ =	shalt  }
.Lfunc_end2:
_tile_overlayer_lowered:
.L_overlay_start_2:
0xfc: {  	(tag) =	ssettag $0x2  }
0xfd: {  	s0 =	rddreg [dreg:$0x0];
	s2 =	stileid.u32  }
0xfe: {  	s1 =	rddreg [dreg:$0x1];
	p0 =	sne.s32 s2, $0x0  }
0xff: {  	s3 =	rddreg [dreg:$0x2];
	[bflag:$0x3] =	sbarrier.arrive $0xFFFF;
	s2 =	simm.s32 @!p0 $0x1C06  }
0x100: {  	[timem:s3], [sflag:s2] =	dma.local @!p0 [hbm:s0], s1  }
0x101: {  	s0 =	simm.s32 @!p0 $0x6  }
0x102: {  	_ =	swait.ge @!p0 [sflag:s0], s1  }
0x103: {  	s1 =	ssub.s32 @!p0 $0x0, s1;
	[sflag:s0] =	ssyncset.done @!p0 $0x0  }
0x104: {  	[sflag:s0] =	ssyncadd.s32 @!p0 s1  }
0x105: {  	[bflag:$0x3] =	sbarrier.arrive $0xFFFF  }
0x106: {  	_ =	shalt  }

</sc_bundles>
